<compile_context>
chip_gen: v7x
topology: tpu7x:2x2x1
jax: 0.10.2.dev20260603
libtpu: 0.0.44.dev20260713+nightly
codegen_flags: <defaults>
</compile_context>

<pallas_src>
import jax
import jax.numpy as jnp
from jax.experimental import pallas as pl
from jax.experimental.pallas import tpu as pltpu

_HEADS = 12
_DH = 64
_EXPERTS = 8
_HIDDEN = 3072
_RB = 128
_LN_EPS = 1e-5
_SCALE = _DH ** -0.5
_NEG = -1e30
_BF = jnp.bfloat16
_F32 = jnp.float32


def _ln(xb, g, b):
    m = jnp.mean(xb, axis=-1, keepdims=True)
    v = jnp.mean((xb - m) ** 2, axis=-1, keepdims=True)
    return (xb - m) * jax.lax.rsqrt(v + _LN_EPS) * g + b


def _ln_qkv_body(x_ref, g_ref, b_ref, w_ref, wb_ref, out_ref):
    h = _ln(x_ref[...], g_ref[...], b_ref[...])
    out_ref[...] = (
        jnp.dot(h.astype(_BF), w_ref[...], preferred_element_type=_F32)
        + wb_ref[...]
    )


def _attn_body(q_ref, k_ref, v_ref, o_ref):
    q = q_ref[...].astype(_BF)
    k = k_ref[...].astype(_BF)
    v = v_ref[...].astype(_BF)
    outs = []
    for i in range(2):
        qp = q[:, i * _DH:(i + 1) * _DH]
        kp = k[:, i * _DH:(i + 1) * _DH]
        vp = v[:, i * _DH:(i + 1) * _DH]
        s = jax.lax.dot_general(
            qp, kp, (((1,), (1,)), ((), ())), preferred_element_type=_F32
        ) * _SCALE
        m = jnp.max(s, axis=-1, keepdims=True)
        p = jnp.exp(s - m)
        p = p / jnp.sum(p, axis=-1, keepdims=True)
        outs.append(jnp.dot(p.astype(_BF), vp, preferred_element_type=_F32))
    o_ref[...] = jnp.concatenate(outs, axis=-1)


def _proj_gate_body(x_ref, o_ref, pw_ref, pb_ref, g2_ref, b2_ref, wg_ref,
                    xr_ref, nx_ref, idx_ref, gate_ref):
    xr = x_ref[...] + jnp.dot(
        o_ref[...].astype(_BF), pw_ref[...], preferred_element_type=_F32
    ) + pb_ref[...]
    xr_ref[...] = xr
    nx = _ln(xr, g2_ref[...], b2_ref[...])
    nxb = nx.astype(_BF)
    nx_ref[...] = nxb
    logits = jnp.dot(nxb, wg_ref[...], preferred_element_type=_F32)
    ii = jax.lax.broadcasted_iota(jnp.int32, logits.shape, 1)
    m1 = jnp.max(logits, axis=-1, keepdims=True)
    i1 = jnp.min(jnp.where(logits == m1, ii, _EXPERTS), axis=-1, keepdims=True)
    l2 = jnp.where(ii == i1, _NEG, logits)
    m2 = jnp.max(l2, axis=-1, keepdims=True)
    i2 = jnp.min(jnp.where(l2 == m2, ii, _EXPERTS), axis=-1, keepdims=True)
    d = jnp.exp(m2 - m1)
    g1 = 1.0 / (1.0 + d)
    g2 = d / (1.0 + d)
    idx_ref[...] = jnp.concatenate([i1, i2], axis=-1)
    gate_ref[...] = jnp.concatenate([g1, g2], axis=-1)


def _moe_body(bi_ref, bv_ref, nx_ref, w1_ref, b1_ref, w2_ref, b2_ref,
              tid_ref, g_ref, xr_ref, out_ref):
    b = pl.program_id(0)

    @pl.when(b == 0)
    def _():
        out_ref[...] = xr_ref[...]

    @pl.when(bv_ref[b] > 0)
    def _():
        n = nx_ref.shape[0]
        tid = tid_ref[0]
        iota = jax.lax.broadcasted_iota(jnp.int32, (n, _RB), 0)
        hit = (iota == tid).astype(_F32)
        xblk = jax.lax.dot_general(
            hit.astype(_BF), nx_ref[...], (((0,), (0,)), ((), ())),
            preferred_element_type=_F32,
        ).astype(_BF)
        h1 = jnp.dot(xblk, w1_ref[0], preferred_element_type=_F32) + b1_ref[0]
        h1 = (h1 * 0.5 * (1.0 + jax.lax.erf(h1 * (2.0 ** -0.5)))).astype(_BF)
        y = jnp.dot(h1, w2_ref[0], preferred_element_type=_F32) + b2_ref[0]
        ohg = (hit * g_ref[0]).astype(_BF)
        out_ref[...] += jnp.dot(ohg, y.astype(_BF), preferred_element_type=_F32)


def kernel(x, ln1_g, ln1_b, qkv_w, qkv_b, proj_w, proj_b, ln2_g, ln2_b,
           w_gate, W1, b1, W2, b2):
    B, S, C = x.shape
    N = B * S
    xf = x.reshape(N, C)
    r1 = lambda a: a.reshape(1, -1)

    qkv = pl.pallas_call(
        _ln_qkv_body,
        grid=(N // 256,),
        in_specs=[
            pl.BlockSpec((256, C), lambda i: (i, 0)),
            pl.BlockSpec((1, C), lambda i: (0, 0)),
            pl.BlockSpec((1, C), lambda i: (0, 0)),
            pl.BlockSpec((C, 3 * C), lambda i: (0, 0)),
            pl.BlockSpec((1, 3 * C), lambda i: (0, 0)),
        ],
        out_specs=pl.BlockSpec((256, 3 * C), lambda i: (i, 0)),
        out_shape=jax.ShapeDtypeStruct((N, 3 * C), _F32),
    )(xf, r1(ln1_g), r1(ln1_b), qkv_w.astype(_BF), r1(qkv_b))

    o = pl.pallas_call(
        _attn_body,
        grid=(_HEADS // 2, N // 512),
        in_specs=[
            pl.BlockSpec((512, 2 * _DH), lambda h, qb: (qb, h)),
            pl.BlockSpec((N, 2 * _DH), lambda h, qb: (0, _HEADS // 2 + h)),
            pl.BlockSpec((N, 2 * _DH), lambda h, qb: (0, _HEADS + h)),
        ],
        out_specs=pl.BlockSpec((512, 2 * _DH), lambda h, qb: (qb, h)),
        out_shape=jax.ShapeDtypeStruct((N, C), _F32),
    )(qkv, qkv, qkv)

    xr, nxb, tidx, tg = pl.pallas_call(
        _proj_gate_body,
        grid=(N // 256,),
        in_specs=[
            pl.BlockSpec((256, C), lambda i: (i, 0)),
            pl.BlockSpec((256, C), lambda i: (i, 0)),
            pl.BlockSpec((C, C), lambda i: (0, 0)),
            pl.BlockSpec((1, C), lambda i: (0, 0)),
            pl.BlockSpec((1, C), lambda i: (0, 0)),
            pl.BlockSpec((1, C), lambda i: (0, 0)),
            pl.BlockSpec((C, _EXPERTS), lambda i: (0, 0)),
        ],
        out_specs=[
            pl.BlockSpec((256, C), lambda i: (i, 0)),
            pl.BlockSpec((256, C), lambda i: (i, 0)),
            pl.BlockSpec((256, 2), lambda i: (i, 0)),
            pl.BlockSpec((256, 2), lambda i: (i, 0)),
        ],
        out_shape=[
            jax.ShapeDtypeStruct((N, C), _F32),
            jax.ShapeDtypeStruct((N, C), _BF),
            jax.ShapeDtypeStruct((N, 2), jnp.int32),
            jax.ShapeDtypeStruct((N, 2), _F32),
        ],
    )(xf, o, proj_w.astype(_BF), r1(proj_b), r1(ln2_g), r1(ln2_b),
      w_gate.astype(_BF))

    A = 2 * N
    NB = (A + _EXPERTS * (_RB - 1) + _RB - 1) // _RB
    PAD = NB * _RB
    flat_e = tidx.reshape(-1)
    order = jnp.argsort(flat_e)
    sorted_e = flat_e[order]
    counts = jnp.zeros((_EXPERTS,), jnp.int32).at[flat_e].add(1)
    padded = ((counts + _RB - 1) // _RB) * _RB
    starts = jnp.concatenate(
        [jnp.zeros((1,), jnp.int32), jnp.cumsum(padded)[:-1]])
    cum_excl = jnp.concatenate(
        [jnp.zeros((1,), jnp.int32), jnp.cumsum(counts)[:-1]])
    pos = starts[sorted_e] + jnp.arange(A, dtype=jnp.int32) - cum_excl[sorted_e]
    slot_tid = jnp.zeros((PAD,), jnp.int32).at[pos].set(
        (order // 2).astype(jnp.int32))
    slot_gate = jnp.zeros((PAD,), _F32).at[pos].set(tg.reshape(-1)[order])
    blk = jnp.arange(NB, dtype=jnp.int32) * _RB
    be = -jnp.ones((NB,), jnp.int32)
    for e in range(_EXPERTS):
        be = jnp.where((blk >= starts[e]) & (blk < starts[e] + padded[e]), e, be)
    be_ix = jnp.maximum(jax.lax.cummax(be), 0)
    be_valid = (be >= 0).astype(jnp.int32)

    out = pl.pallas_call(
        _moe_body,
        grid_spec=pltpu.PrefetchScalarGridSpec(
            num_scalar_prefetch=2,
            grid=(NB,),
            in_specs=[
                pl.BlockSpec((N, C), lambda b, bi, bv: (0, 0)),
                pl.BlockSpec((1, C, _HIDDEN), lambda b, bi, bv: (bi[b], 0, 0)),
                pl.BlockSpec((1, 1, _HIDDEN), lambda b, bi, bv: (bi[b], 0, 0)),
                pl.BlockSpec((1, _HIDDEN, C), lambda b, bi, bv: (bi[b], 0, 0)),
                pl.BlockSpec((1, 1, C), lambda b, bi, bv: (bi[b], 0, 0)),
                pl.BlockSpec((1, 1, _RB), lambda b, bi, bv: (b, 0, 0)),
                pl.BlockSpec((1, 1, _RB), lambda b, bi, bv: (b, 0, 0)),
                pl.BlockSpec((N, C), lambda b, bi, bv: (0, 0)),
            ],
            out_specs=pl.BlockSpec((N, C), lambda b, bi, bv: (0, 0)),
        ),
        out_shape=jax.ShapeDtypeStruct((N, C), _F32),
    )(be_ix, be_valid, nxb, W1.astype(_BF), b1.reshape(_EXPERTS, 1, _HIDDEN),
      W2.astype(_BF), b2.reshape(_EXPERTS, 1, C),
      slot_tid.reshape(NB, 1, _RB), slot_gate.reshape(NB, 1, _RB), xr)

    return out.reshape(B, S, C)

# --- scband reference (transcript-rebuilt; emitter-appended) ---
"""Pipeline reference for scband-block-63952063037469 (READ-ONLY COPY).

The authoritative reference and input builder live on the scoring server;
editing this copy changes nothing except your own understanding.
"""

import jax, jax.numpy as jnp
import numpy as np

DIM = 768
HEADS = 12
EXPERTS = 8
TOP_K = 2
HIDDEN = 3072


def _layer_norm(x, g, b, eps=1e-5):
    m = x.mean(-1, keepdims=True)
    v = ((x - m) ** 2).mean(-1, keepdims=True)
    return (x - m) / jnp.sqrt(v + eps) * g + b


def setup_inputs(seed: int = 0):
    key = jax.random.key(seed)
    ks = [jax.random.fold_in(key, i) for i in range(16)]
    return {
        "x": jax.random.normal(ks[0], (1, 2048, DIM), jnp.float32),
        "ln1_g": jnp.ones((DIM,), jnp.float32),
        "ln1_b": jnp.zeros((DIM,), jnp.float32),
        "qkv_w": jax.random.normal(ks[1], (DIM, 3 * DIM), jnp.float32) * 0.02,
        "qkv_b": jnp.zeros((3 * DIM,), jnp.float32),
        "proj_w": jax.random.normal(ks[2], (DIM, DIM), jnp.float32) * 0.02,
        "proj_b": jnp.zeros((DIM,), jnp.float32),
        "ln2_g": jnp.ones((DIM,), jnp.float32),
        "ln2_b": jnp.zeros((DIM,), jnp.float32),
        "w_gate": jax.random.normal(ks[3], (DIM, EXPERTS), jnp.float32) * 0.02,
        "W1": jax.random.normal(ks[4], (EXPERTS, DIM, HIDDEN), jnp.float32) * 0.02,
        "b1": jnp.zeros((EXPERTS, HIDDEN), jnp.float32),
        "W2": jax.random.normal(ks[5], (EXPERTS, HIDDEN, DIM), jnp.float32) * 0.02,
        "b2": jnp.zeros((EXPERTS, DIM), jnp.float32),
    }


def _forward(x, ln1_g, ln1_b, qkv_w, qkv_b, proj_w, proj_b, ln2_g, ln2_b, w_gate, W1, b1, W2, b2, top_idx):
    B, S, C = x.shape
    dh = C // HEADS
    h = _layer_norm(x, ln1_g, ln1_b)
    qkv = (h @ qkv_w + qkv_b).reshape(B, S, 3, HEADS, dh).transpose(2, 0, 3, 1, 4)
    q, k, v = qkv[0], qkv[1], qkv[2]
    attn = jax.nn.softmax((q @ k.transpose(0, 1, 3, 2)) * (dh ** -0.5), axis=-1)
    o = (attn @ v).transpose(0, 2, 1, 3).reshape(B, S, C)
    xr = x + (o @ proj_w + proj_b)
    nx = _layer_norm(xr, ln2_g, ln2_b)
    tok = nx.reshape(-1, C)
    logits = tok @ w_gate
    top_vals = jnp.take_along_axis(logits, top_idx, axis=1)
    gates = jax.nn.softmax(top_vals, axis=-1)
    out = jnp.zeros_like(tok)
    for e in range(EXPERTS):
        he = jax.nn.gelu(tok @ W1[e] + b1[e], approximate=False)
        ye = he @ W2[e] + b2[e]
        ge = jnp.sum(jnp.where(top_idx == e, gates, jnp.zeros_like(gates)), axis=1)
        out = out + ge[:, None] * ye
    return xr + out.reshape(B, S, C)


def _gate_indices(x, ln1_g, ln1_b, qkv_w, qkv_b, proj_w, proj_b, ln2_g, ln2_b, w_gate):
    B, S, C = x.shape
    dh = C // HEADS
    h = _layer_norm(x, ln1_g, ln1_b)
    qkv = (h @ qkv_w + qkv_b).reshape(B, S, 3, HEADS, dh).transpose(2, 0, 3, 1, 4)
    q, k, v = qkv[0], qkv[1], qkv[2]
    attn = jax.nn.softmax((q @ k.transpose(0, 1, 3, 2)) * (dh ** -0.5), axis=-1)
    o = (attn @ v).transpose(0, 2, 1, 3).reshape(B, S, C)
    xr = x + (o @ proj_w + proj_b)
    nx = _layer_norm(xr, ln2_g, ln2_b)
    logits = nx.reshape(-1, C) @ w_gate
    _, top_idx = jax.lax.top_k(logits, TOP_K)
    return top_idx


def reference(x, ln1_g, ln1_b, qkv_w, qkv_b, proj_w, proj_b, ln2_g, ln2_b, w_gate, W1, b1, W2, b2):
    top_idx = _gate_indices(x, ln1_g, ln1_b, qkv_w, qkv_b, proj_w, proj_b, ln2_g, ln2_b, w_gate)
    return _forward(x, ln1_g, ln1_b, qkv_w, qkv_b, proj_w, proj_b, ln2_g, ln2_b, w_gate, W1, b1, W2, b2, top_idx)

if __name__ == "__main__":
    import jax
    _d = setup_inputs()
    print(jax.jit(kernel)(*tuple(_d.values())))

</pallas_src>

<mosaic_0001>
module attributes {stable_mosaic.version = 14 : i64} {
  func.func @_ln_qkv_body(%arg0: i32, %arg1: memref<256x768xf32, #tpu.memory_space<vmem>>, %arg2: memref<1x768xf32, #tpu.memory_space<vmem>>, %arg3: memref<1x768xf32, #tpu.memory_space<vmem>>, %arg4: memref<768x2304xbf16, #tpu.memory_space<vmem>>, %arg5: memref<1x2304xf32, #tpu.memory_space<vmem>>, %arg6: memref<256x2304xf32, #tpu.memory_space<vmem>>) attributes {dimension_semantics = [#tpu.dimension_semantics<arbitrary>], iteration_bounds = array<i64: 8>, scalar_prefetch = 0 : i64, scratch_operands = 0 : i64, tpu.core_type = #tpu.core_type<tc>, window_params = [{transform_indices = @transform_0, window_bounds = array<i64: 256, 768>}, {pipeline_mode = #tpu.pipeline_mode<synchronous>, transform_indices = @transform_1, window_bounds = array<i64: 1, 768>}, {pipeline_mode = #tpu.pipeline_mode<synchronous>, transform_indices = @transform_2, window_bounds = array<i64: 1, 768>}, {pipeline_mode = #tpu.pipeline_mode<synchronous>, transform_indices = @transform_3, window_bounds = array<i64: 768, 2304>}, {pipeline_mode = #tpu.pipeline_mode<synchronous>, transform_indices = @transform_4, window_bounds = array<i64: 1, 2304>}, {transform_indices = @transform_5, window_bounds = array<i64: 256, 2304>}]} {
    %get3A = arith.constant 0 : index
    %get3A_0 = arith.constant 0 : index
    %get3A_1 = vector.load %arg1[%get3A, %get3A_0] : memref<256x768xf32, #tpu.memory_space<vmem>>, vector<256x768xf32>
    %get3A_2 = arith.constant 0 : index
    %get3A_3 = arith.constant 0 : index
    %get3A_4 = vector.load %arg2[%get3A_2, %get3A_3] : memref<1x768xf32, #tpu.memory_space<vmem>>, vector<1x768xf32>
    %get3A_5 = arith.constant 0 : index
    %get3A_6 = arith.constant 0 : index
    %get3A_7 = vector.load %arg3[%get3A_5, %get3A_6] : memref<1x768xf32, #tpu.memory_space<vmem>>, vector<1x768xf32>
    %reduce_sum3A = arith.constant dense<0.000000e+00> : vector<256xf32>
    %reduce_sum3A_8 = vector.multi_reduction <add>, %get3A_1, %reduce_sum3A [1] : vector<256x768xf32> to vector<256xf32>
    %broadcast_in_dim3A = vector.shape_cast %reduce_sum3A_8 : vector<256xf32> to vector<256x1xf32>
    %div3A = arith.constant 7.680000e+02 : f32
    %div3A_9 = vector.broadcast %div3A : f32 to vector<256x1xf32>
    %div3A_10 = arith.divf %broadcast_in_dim3A, %div3A_9 : vector<256x1xf32>
    %sub3A = vector.broadcast %div3A_10 : vector<256x1xf32> to vector<256x768xf32>
    %sub3A_11 = arith.subf %get3A_1, %sub3A : vector<256x768xf32>
    %integer_pow3A = arith.mulf %sub3A_11, %sub3A_11 : vector<256x768xf32>
    %reduce_sum3A_12 = arith.constant dense<0.000000e+00> : vector<256xf32>
    %reduce_sum3A_13 = vector.multi_reduction <add>, %integer_pow3A, %reduce_sum3A_12 [1] : vector<256x768xf32> to vector<256xf32>
    %broadcast_in_dim3A_14 = vector.shape_cast %reduce_sum3A_13 : vector<256xf32> to vector<256x1xf32>
    %div3A_15 = arith.constant 7.680000e+02 : f32
    %div3A_16 = vector.broadcast %div3A_15 : f32 to vector<256x1xf32>
    %div3A_17 = arith.divf %broadcast_in_dim3A_14, %div3A_16 : vector<256x1xf32>
    %sub3A_18 = vector.broadcast %div3A_10 : vector<256x1xf32> to vector<256x768xf32>
    %sub3A_19 = arith.subf %get3A_1, %sub3A_18 : vector<256x768xf32>
    %add3A = arith.constant 9.99999974E-6 : f32
    %add3A_20 = vector.broadcast %add3A : f32 to vector<256x1xf32>
    %add3A_21 = arith.addf %div3A_17, %add3A_20 : vector<256x1xf32>
    %rsqrt3A = math.rsqrt %add3A_21 : vector<256x1xf32>
    %mul3A = vector.broadcast %rsqrt3A : vector<256x1xf32> to vector<256x768xf32>
    %mul3A_22 = arith.mulf %sub3A_19, %mul3A : vector<256x768xf32>
    %mul3A_23 = vector.broadcast %get3A_4 : vector<1x768xf32> to vector<256x768xf32>
    %mul3A_24 = arith.mulf %mul3A_22, %mul3A_23 : vector<256x768xf32>
    %add3A_25 = vector.broadcast %get3A_7 : vector<1x768xf32> to vector<256x768xf32>
    %add3A_26 = arith.addf %mul3A_24, %add3A_25 : vector<256x768xf32>
    %convert_element_type3A = arith.truncf %add3A_26 : vector<256x768xf32> to vector<256x768xbf16>
    %get3A_27 = arith.constant 0 : index
    %get3A_28 = arith.constant 0 : index
    %get3A_29 = vector.load %arg4[%get3A_27, %get3A_28] : memref<768x2304xbf16, #tpu.memory_space<vmem>>, vector<768x2304xbf16>
    %dot_general3A = arith.constant dense<0.000000e+00> : vector<256x2304xf32>
    %dot_general3A_30 = tpu.matmul %convert_element_type3A, %get3A_29, %dot_general3A {dimension_numbers = #tpu.dot_dimension_numbers<[1], [0], [0], [1], [0, 0, 1, 1], [], []>, transpose_lhs_hint = false} : vector<256x768xbf16>, vector<768x2304xbf16>, vector<256x2304xf32> -> vector<256x2304xf32>
    %get3A_31 = arith.constant 0 : index
    %get3A_32 = arith.constant 0 : index
    %get3A_33 = vector.load %arg5[%get3A_31, %get3A_32] : memref<1x2304xf32, #tpu.memory_space<vmem>>, vector<1x2304xf32>
    %add3A_34 = vector.broadcast %get3A_33 : vector<1x2304xf32> to vector<256x2304xf32>
    %add3A_35 = arith.addf %dot_general3A_30, %add3A_34 : vector<256x2304xf32>
    %swap3A = arith.constant 0 : index
    %swap3A_36 = arith.constant 0 : index
    %swap3A_37 = vector.load %arg6[%swap3A, %swap3A_36] : memref<256x2304xf32, #tpu.memory_space<vmem>>, vector<256x2304xf32>
    tpu.vector_store %arg6[%swap3A, %swap3A_36], %add3A_35 {strides = array<i32>} : memref<256x2304xf32, #tpu.memory_space<vmem>>, vector<256x2304xf32>,
    return
  }
  func.func @transform_0(%arg0: i32) -> (i32, i32) {
    %c0_i32 = arith.constant 0 : i32
    %c0_i32_0 = arith.constant 0 : i32
    return %arg0, %c0_i32 : i32, i32
  }
  func.func @transform_1(%arg0: i32) -> (i32, i32) {
    %c0_i32 = arith.constant 0 : i32
    %c0_i32_0 = arith.constant 0 : i32
    %c0_i32_1 = arith.constant 0 : i32
    return %c0_i32, %c0_i32_0 : i32, i32
  }
  func.func @transform_2(%arg0: i32) -> (i32, i32) {
    %c0_i32 = arith.constant 0 : i32
    %c0_i32_0 = arith.constant 0 : i32
    %c0_i32_1 = arith.constant 0 : i32
    return %c0_i32, %c0_i32_0 : i32, i32
  }
  func.func @transform_3(%arg0: i32) -> (i32, i32) {
    %c0_i32 = arith.constant 0 : i32
    %c0_i32_0 = arith.constant 0 : i32
    %c0_i32_1 = arith.constant 0 : i32
    return %c0_i32, %c0_i32_0 : i32, i32
  }
  func.func @transform_4(%arg0: i32) -> (i32, i32) {
    %c0_i32 = arith.constant 0 : i32
    %c0_i32_0 = arith.constant 0 : i32
    %c0_i32_1 = arith.constant 0 : i32
    return %c0_i32, %c0_i32_0 : i32, i32
  }
  func.func @transform_5(%arg0: i32) -> (i32, i32) {
    %c0_i32 = arith.constant 0 : i32
    %c0_i32_0 = arith.constant 0 : i32
    return %arg0, %c0_i32 : i32, i32
  }
}

module attributes {stable_mosaic.version = 14 : i64} {
  func.func @_attn_body(%arg0: i32, %arg1: i32, %arg2: memref<512x128xf32, #tpu.memory_space<vmem>>, %arg3: memref<2048x128xf32, #tpu.memory_space<vmem>>, %arg4: memref<2048x128xf32, #tpu.memory_space<vmem>>, %arg5: memref<512x128xf32, #tpu.memory_space<vmem>>) attributes {dimension_semantics = [#tpu.dimension_semantics<arbitrary>, #tpu.dimension_semantics<arbitrary>], iteration_bounds = array<i64: 6, 4>, scalar_prefetch = 0 : i64, scratch_operands = 0 : i64, tpu.core_type = #tpu.core_type<tc>, window_params = [{transform_indices = @transform_0, window_bounds = array<i64: 512, 128>}, {transform_indices = @transform_1, window_bounds = array<i64: 2048, 128>}, {transform_indices = @transform_2, window_bounds = array<i64: 2048, 128>}, {transform_indices = @transform_3, window_bounds = array<i64: 512, 128>}]} {
    %get3A = arith.constant 0 : index
    %get3A_0 = arith.constant 0 : index
    %get3A_1 = vector.load %arg2[%get3A, %get3A_0] : memref<512x128xf32, #tpu.memory_space<vmem>>, vector<512x128xf32>
    %convert_element_type3A = arith.truncf %get3A_1 : vector<512x128xf32> to vector<512x128xbf16>
    %get3A_2 = arith.constant 0 : index
    %get3A_3 = arith.constant 0 : index
    %get3A_4 = vector.load %arg3[%get3A_2, %get3A_3] : memref<2048x128xf32, #tpu.memory_space<vmem>>, vector<2048x128xf32>
    %convert_element_type3A_5 = arith.truncf %get3A_4 : vector<2048x128xf32> to vector<2048x128xbf16>
    %get3A_6 = arith.constant 0 : index
    %get3A_7 = arith.constant 0 : index
    %get3A_8 = vector.load %arg4[%get3A_6, %get3A_7] : memref<2048x128xf32, #tpu.memory_space<vmem>>, vector<2048x128xf32>
    %convert_element_type3A_9 = arith.truncf %get3A_8 : vector<2048x128xf32> to vector<2048x128xbf16>
    %slice3A = vector.extract_strided_slice %convert_element_type3A {offsets = [0, 0], sizes = [512, 64], strides = [1, 1]} : vector<512x128xbf16> to vector<512x64xbf16>
    %slice3A_10 = vector.extract_strided_slice %convert_element_type3A_5 {offsets = [0, 0], sizes = [2048, 64], strides = [1, 1]} : vector<2048x128xbf16> to vector<2048x64xbf16>
    %slice3A_11 = vector.extract_strided_slice %convert_element_type3A_9 {offsets = [0, 0], sizes = [2048, 64], strides = [1, 1]} : vector<2048x128xbf16> to vector<2048x64xbf16>
    %dot_general3A = arith.constant dense<0.000000e+00> : vector<512x2048xf32>
    %dot_general3A_12 = tpu.matmul %slice3A, %slice3A_10, %dot_general3A {dimension_numbers = #tpu.dot_dimension_numbers<[1], [1], [0], [0], [0, 0, 1, 0], [], []>, transpose_lhs_hint = false} : vector<512x64xbf16>, vector<2048x64xbf16>, vector<512x2048xf32> -> vector<512x2048xf32>
    %mul3A = arith.constant 1.250000e-01 : f32
    %mul3A_13 = vector.broadcast %mul3A : f32 to vector<512x2048xf32>
    %mul3A_14 = arith.mulf %dot_general3A_12, %mul3A_13 : vector<512x2048xf32>
    %reduce_max3A = arith.constant dense<0xFF800000> : vector<512xf32>
    %reduce_max3A_15 = vector.multi_reduction <maximumf>, %mul3A_14, %reduce_max3A [1] : vector<512x2048xf32> to vector<512xf32>
    %broadcast_in_dim3A = vector.shape_cast %reduce_max3A_15 : vector<512xf32> to vector<512x1xf32>
    %sub3A = vector.broadcast %broadcast_in_dim3A : vector<512x1xf32> to vector<512x2048xf32>
    %sub3A_16 = arith.subf %mul3A_14, %sub3A : vector<512x2048xf32>
    %exp3A = math.exp %sub3A_16 : vector<512x2048xf32>
    %reduce_sum3A = arith.constant dense<0.000000e+00> : vector<512xf32>
    %reduce_sum3A_17 = vector.multi_reduction <add>, %exp3A, %reduce_sum3A [1] : vector<512x2048xf32> to vector<512xf32>
    %broadcast_in_dim3A_18 = vector.shape_cast %reduce_sum3A_17 : vector<512xf32> to vector<512x1xf32>
    %div3A = vector.broadcast %broadcast_in_dim3A_18 : vector<512x1xf32> to vector<512x2048xf32>
    %div3A_19 = arith.divf %exp3A, %div3A : vector<512x2048xf32>
    %convert_element_type3A_20 = arith.truncf %div3A_19 : vector<512x2048xf32> to vector<512x2048xbf16>
    %dot_general3A_21 = arith.constant dense<0.000000e+00> : vector<512x64xf32>
    %dot_general3A_22 = tpu.matmul %convert_element_type3A_20, %slice3A_11, %dot_general3A_21 {dimension_numbers = #tpu.dot_dimension_numbers<[1], [0], [0], [1], [0, 0, 1, 1], [], []>, transpose_lhs_hint = false} : vector<512x2048xbf16>, vector<2048x64xbf16>, vector<512x64xf32> -> vector<512x64xf32>
    %slice3A_23 = vector.extract_strided_slice %convert_element_type3A {offsets = [0, 64], sizes = [512, 64], strides = [1, 1]} : vector<512x128xbf16> to vector<512x64xbf16>
    %slice3A_24 = vector.extract_strided_slice %convert_element_type3A_5 {offsets = [0, 64], sizes = [2048, 64], strides = [1, 1]} : vector<2048x128xbf16> to vector<2048x64xbf16>
    %slice3A_25 = vector.extract_strided_slice %convert_element_type3A_9 {offsets = [0, 64], sizes = [2048, 64], strides = [1, 1]} : vector<2048x128xbf16> to vector<2048x64xbf16>
    %dot_general3A_26 = arith.constant dense<0.000000e+00> : vector<512x2048xf32>
    %dot_general3A_27 = tpu.matmul %slice3A_23, %slice3A_24, %dot_general3A_26 {dimension_numbers = #tpu.dot_dimension_numbers<[1], [1], [0], [0], [0, 0, 1, 0], [], []>, transpose_lhs_hint = false} : vector<512x64xbf16>, vector<2048x64xbf16>, vector<512x2048xf32> -> vector<512x2048xf32>
    %mul3A_28 = arith.constant 1.250000e-01 : f32
    %mul3A_29 = vector.broadcast %mul3A_28 : f32 to vector<512x2048xf32>
    %mul3A_30 = arith.mulf %dot_general3A_27, %mul3A_29 : vector<512x2048xf32>
    %reduce_max3A_31 = arith.constant dense<0xFF800000> : vector<512xf32>
    %reduce_max3A_32 = vector.multi_reduction <maximumf>, %mul3A_30, %reduce_max3A_31 [1] : vector<512x2048xf32> to vector<512xf32>
    %broadcast_in_dim3A_33 = vector.shape_cast %reduce_max3A_32 : vector<512xf32> to vector<512x1xf32>
    %sub3A_34 = vector.broadcast %broadcast_in_dim3A_33 : vector<512x1xf32> to vector<512x2048xf32>
    %sub3A_35 = arith.subf %mul3A_30, %sub3A_34 : vector<512x2048xf32>
    %exp3A_36 = math.exp %sub3A_35 : vector<512x2048xf32>
    %reduce_sum3A_37 = arith.constant dense<0.000000e+00> : vector<512xf32>
    %reduce_sum3A_38 = vector.multi_reduction <add>, %exp3A_36, %reduce_sum3A_37 [1] : vector<512x2048xf32> to vector<512xf32>
    %broadcast_in_dim3A_39 = vector.shape_cast %reduce_sum3A_38 : vector<512xf32> to vector<512x1xf32>
    %div3A_40 = vector.broadcast %broadcast_in_dim3A_39 : vector<512x1xf32> to vector<512x2048xf32>
    %div3A_41 = arith.divf %exp3A_36, %div3A_40 : vector<512x2048xf32>
    %convert_element_type3A_42 = arith.truncf %div3A_41 : vector<512x2048xf32> to vector<512x2048xbf16>
    %dot_general3A_43 = arith.constant dense<0.000000e+00> : vector<512x64xf32>
    %dot_general3A_44 = tpu.matmul %convert_element_type3A_42, %slice3A_25, %dot_general3A_43 {dimension_numbers = #tpu.dot_dimension_numbers<[1], [0], [0], [1], [0, 0, 1, 1], [], []>, transpose_lhs_hint = false} : vector<512x2048xbf16>, vector<2048x64xbf16>, vector<512x64xf32> -> vector<512x64xf32>
    %concatenate3A = tpu.concatenate %dot_general3A_22, %dot_general3A_44 in 1 : vector<512x64xf32>, vector<512x64xf32> -> vector<512x128xf32>
    %swap3A = arith.constant 0 : index
    %swap3A_45 = arith.constant 0 : index
    %swap3A_46 = vector.load %arg5[%swap3A, %swap3A_45] : memref<512x128xf32, #tpu.memory_space<vmem>>, vector<512x128xf32>
    tpu.vector_store %arg5[%swap3A, %swap3A_45], %concatenate3A {strides = array<i32>} : memref<512x128xf32, #tpu.memory_space<vmem>>, vector<512x128xf32>,
    return
  }
  func.func @transform_0(%arg0: i32, %arg1: i32) -> (i32, i32) {
    %c0_i32 = arith.constant 0 : i32
    return %arg1, %arg0 : i32, i32
  }
  func.func @transform_1(%arg0: i32, %arg1: i32) -> (i32, i32) {
    %add3A = arith.constant 6 : i32
    %add3A_0 = arith.addi %add3A, %arg0 : i32
    %c0_i32 = arith.constant 0 : i32
    %c0_i32_1 = arith.constant 0 : i32
    return %c0_i32, %add3A_0 : i32, i32
  }
  func.func @transform_2(%arg0: i32, %arg1: i32) -> (i32, i32) {
    %add3A = arith.constant 12 : i32
    %add3A_0 = arith.addi %add3A, %arg0 : i32
    %c0_i32 = arith.constant 0 : i32
    %c0_i32_1 = arith.constant 0 : i32
    return %c0_i32, %add3A_0 : i32, i32
  }
  func.func @transform_3(%arg0: i32, %arg1: i32) -> (i32, i32) {
    %c0_i32 = arith.constant 0 : i32
    return %arg1, %arg0 : i32, i32
  }
}

module attributes {stable_mosaic.version = 14 : i64} {
  func.func @_proj_gate_body(%arg0: i32, %arg1: memref<256x768xf32, #tpu.memory_space<vmem>>, %arg2: memref<256x768xf32, #tpu.memory_space<vmem>>, %arg3: memref<768x768xbf16, #tpu.memory_space<vmem>>, %arg4: memref<1x768xf32, #tpu.memory_space<vmem>>, %arg5: memref<1x768xf32, #tpu.memory_space<vmem>>, %arg6: memref<1x768xf32, #tpu.memory_space<vmem>>, %arg7: memref<768x8xbf16, #tpu.memory_space<vmem>>, %arg8: memref<256x768xf32, #tpu.memory_space<vmem>>, %arg9: memref<256x768xbf16, #tpu.memory_space<vmem>>, %arg10: memref<256x2xi32, #tpu.memory_space<vmem>>, %arg11: memref<256x2xf32, #tpu.memory_space<vmem>>) attributes {dimension_semantics = [#tpu.dimension_semantics<arbitrary>], iteration_bounds = array<i64: 8>, scalar_prefetch = 0 : i64, scratch_operands = 0 : i64, tpu.core_type = #tpu.core_type<tc>, window_params = [{transform_indices = @transform_0, window_bounds = array<i64: 256, 768>}, {transform_indices = @transform_1, window_bounds = array<i64: 256, 768>}, {pipeline_mode = #tpu.pipeline_mode<synchronous>, transform_indices = @transform_2, window_bounds = array<i64: 768, 768>}, {pipeline_mode = #tpu.pipeline_mode<synchronous>, transform_indices = @transform_3, window_bounds = array<i64: 1, 768>}, {pipeline_mode = #tpu.pipeline_mode<synchronous>, transform_indices = @transform_4, window_bounds = array<i64: 1, 768>}, {pipeline_mode = #tpu.pipeline_mode<synchronous>, transform_indices = @transform_5, window_bounds = array<i64: 1, 768>}, {pipeline_mode = #tpu.pipeline_mode<synchronous>, transform_indices = @transform_6, window_bounds = array<i64: 768, 8>}, {transform_indices = @transform_7, window_bounds = array<i64: 256, 768>}, {transform_indices = @transform_8, window_bounds = array<i64: 256, 768>}, {transform_indices = @transform_9, window_bounds = array<i64: 256, 2>}, {transform_indices = @transform_10, window_bounds = array<i64: 256, 2>}]} {
    %get3A = arith.constant 0 : index
    %get3A_0 = arith.constant 0 : index
    %get3A_1 = vector.load %arg1[%get3A, %get3A_0] : memref<256x768xf32, #tpu.memory_space<vmem>>, vector<256x768xf32>
    %get3A_2 = arith.constant 0 : index
    %get3A_3 = arith.constant 0 : index
    %get3A_4 = vector.load %arg2[%get3A_2, %get3A_3] : memref<256x768xf32, #tpu.memory_space<vmem>>, vector<256x768xf32>
    %convert_element_type3A = arith.truncf %get3A_4 : vector<256x768xf32> to vector<256x768xbf16>
    %get3A_5 = arith.constant 0 : index
    %get3A_6 = arith.constant 0 : index
    %get3A_7 = vector.load %arg3[%get3A_5, %get3A_6] : memref<768x768xbf16, #tpu.memory_space<vmem>>, vector<768x768xbf16>
    %dot_general3A = arith.constant dense<0.000000e+00> : vector<256x768xf32>
    %dot_general3A_8 = tpu.matmul %convert_element_type3A, %get3A_7, %dot_general3A {dimension_numbers = #tpu.dot_dimension_numbers<[1], [0], [0], [1], [0, 0, 1, 1], [], []>, transpose_lhs_hint = false} : vector<256x768xbf16>, vector<768x768xbf16>, vector<256x768xf32> -> vector<256x768xf32>
    %add3A = arith.addf %get3A_1, %dot_general3A_8 : vector<256x768xf32>
    %get3A_9 = arith.constant 0 : index
    %get3A_10 = arith.constant 0 : index
    %get3A_11 = vector.load %arg4[%get3A_9, %get3A_10] : memref<1x768xf32, #tpu.memory_space<vmem>>, vector<1x768xf32>
    %add3A_12 = vector.broadcast %get3A_11 : vector<1x768xf32> to vector<256x768xf32>
    %add3A_13 = arith.addf %add3A, %add3A_12 : vector<256x768xf32>
    %swap3A = arith.constant 0 : index
    %swap3A_14 = arith.constant 0 : index
    %swap3A_15 = vector.load %arg8[%swap3A, %swap3A_14] : memref<256x768xf32, #tpu.memory_space<vmem>>, vector<256x768xf32>
    tpu.vector_store %arg8[%swap3A, %swap3A_14], %add3A_13 {strides = array<i32>} : memref<256x768xf32, #tpu.memory_space<vmem>>, vector<256x768xf32>,
    %get3A_16 = arith.constant 0 : index
    %get3A_17 = arith.constant 0 : index
    %get3A_18 = vector.load %arg5[%get3A_16, %get3A_17] : memref<1x768xf32, #tpu.memory_space<vmem>>, vector<1x768xf32>
    %get3A_19 = arith.constant 0 : index
    %get3A_20 = arith.constant 0 : index
    %get3A_21 = vector.load %arg6[%get3A_19, %get3A_20] : memref<1x768xf32, #tpu.memory_space<vmem>>, vector<1x768xf32>
    %reduce_sum3A = arith.constant dense<0.000000e+00> : vector<256xf32>
    %reduce_sum3A_22 = vector.multi_reduction <add>, %add3A_13, %reduce_sum3A [1] : vector<256x768xf32> to vector<256xf32>
    %broadcast_in_dim3A = vector.shape_cast %reduce_sum3A_22 : vector<256xf32> to vector<256x1xf32>
    %div3A = arith.constant 7.680000e+02 : f32
    %div3A_23 = vector.broadcast %div3A : f32 to vector<256x1xf32>
    %div3A_24 = arith.divf %broadcast_in_dim3A, %div3A_23 : vector<256x1xf32>
    %sub3A = vector.broadcast %div3A_24 : vector<256x1xf32> to vector<256x768xf32>
    %sub3A_25 = arith.subf %add3A_13, %sub3A : vector<256x768xf32>
    %integer_pow3A = arith.mulf %sub3A_25, %sub3A_25 : vector<256x768xf32>
    %reduce_sum3A_26 = arith.constant dense<0.000000e+00> : vector<256xf32>
    %reduce_sum3A_27 = vector.multi_reduction <add>, %integer_pow3A, %reduce_sum3A_26 [1] : vector<256x768xf32> to vector<256xf32>
    %broadcast_in_dim3A_28 = vector.shape_cast %reduce_sum3A_27 : vector<256xf32> to vector<256x1xf32>
    %div3A_29 = arith.constant 7.680000e+02 : f32
    %div3A_30 = vector.broadcast %div3A_29 : f32 to vector<256x1xf32>
    %div3A_31 = arith.divf %broadcast_in_dim3A_28, %div3A_30 : vector<256x1xf32>
    %sub3A_32 = vector.broadcast %div3A_24 : vector<256x1xf32> to vector<256x768xf32>
    %sub3A_33 = arith.subf %add3A_13, %sub3A_32 : vector<256x768xf32>
    %add3A_34 = arith.constant 9.99999974E-6 : f32
    %add3A_35 = vector.broadcast %add3A_34 : f32 to vector<256x1xf32>
    %add3A_36 = arith.addf %div3A_31, %add3A_35 : vector<256x1xf32>
    %rsqrt3A = math.rsqrt %add3A_36 : vector<256x1xf32>
    %mul3A = vector.broadcast %rsqrt3A : vector<256x1xf32> to vector<256x768xf32>
    %mul3A_37 = arith.mulf %sub3A_33, %mul3A : vector<256x768xf32>
    %mul3A_38 = vector.broadcast %get3A_18 : vector<1x768xf32> to vector<256x768xf32>
    %mul3A_39 = arith.mulf %mul3A_37, %mul3A_38 : vector<256x768xf32>
    %add3A_40 = vector.broadcast %get3A_21 : vector<1x768xf32> to vector<256x768xf32>
    %add3A_41 = arith.addf %mul3A_39, %add3A_40 : vector<256x768xf32>
    %convert_element_type3A_42 = arith.truncf %add3A_41 : vector<256x768xf32> to vector<256x768xbf16>
    %swap3A_43 = arith.constant 0 : index
    %swap3A_44 = arith.constant 0 : index
    %swap3A_45 = vector.load %arg9[%swap3A_43, %swap3A_44] : memref<256x768xbf16, #tpu.memory_space<vmem>>, vector<256x768xbf16>
    tpu.vector_store %arg9[%swap3A_43, %swap3A_44], %convert_element_type3A_42 {strides = array<i32>} : memref<256x768xbf16, #tpu.memory_space<vmem>>, vector<256x768xbf16>,
    %get3A_46 = arith.constant 0 : index
    %get3A_47 = arith.constant 0 : index
    %get3A_48 = vector.load %arg7[%get3A_46, %get3A_47] : memref<768x8xbf16, #tpu.memory_space<vmem>>, vector<768x8xbf16>
    %dot_general3A_49 = arith.constant dense<0.000000e+00> : vector<256x8xf32>
    %dot_general3A_50 = tpu.matmul %convert_element_type3A_42, %get3A_48, %dot_general3A_49 {dimension_numbers = #tpu.dot_dimension_numbers<[1], [0], [0], [1], [0, 0, 1, 1], [], []>, transpose_lhs_hint = false} : vector<256x768xbf16>, vector<768x8xbf16>, vector<256x8xf32> -> vector<256x8xf32>
    %iota3A = tpu.iota {dimensions = array<i32: 1>} : vector<256x8xi32>
    %reduce_max3A = arith.constant dense<0xFF800000> : vector<256xf32>
    %reduce_max3A_51 = vector.multi_reduction <maximumf>, %dot_general3A_50, %reduce_max3A [1] : vector<256x8xf32> to vector<256xf32>
    %broadcast_in_dim3A_52 = vector.shape_cast %reduce_max3A_51 : vector<256xf32> to vector<256x1xf32>
    %eq3A = vector.broadcast %broadcast_in_dim3A_52 : vector<256x1xf32> to vector<256x8xf32>
    %eq3A_53 = arith.cmpf oeq, %dot_general3A_50, %eq3A : vector<256x8xf32>
    %jit3A = arith.constant 8 : i32
    %broadcast_in_dim3A_54 = vector.broadcast %jit3A : i32 to vector<256x8xi32>
    %select_n3A = arith.select %eq3A_53, %iota3A, %broadcast_in_dim3A_54 : vector<256x8xi1>, vector<256x8xi32>
    %reduce_min3A = arith.constant dense<2147483647> : vector<256xi32>
    %reduce_min3A_55 = vector.multi_reduction <minsi>, %select_n3A, %reduce_min3A [1] : vector<256x8xi32> to vector<256xi32>
    %broadcast_in_dim3A_56 = vector.shape_cast %reduce_min3A_55 : vector<256xi32> to vector<256x1xi32>
    %eq3A_57 = vector.broadcast %broadcast_in_dim3A_56 : vector<256x1xi32> to vector<256x8xi32>
    %eq3A_58 = arith.cmpi eq, %iota3A, %eq3A_57 : vector<256x8xi32>
    %jit3A_59 = arith.constant -1.000000e+30 : f32
    %broadcast_in_dim3A_60 = vector.broadcast %jit3A_59 : f32 to vector<256x8xf32>
    %select_n3A_61 = arith.select %eq3A_58, %broadcast_in_dim3A_60, %dot_general3A_50 : vector<256x8xi1>, vector<256x8xf32>
    %reduce_max3A_62 = arith.constant dense<0xFF800000> : vector<256xf32>
    %reduce_max3A_63 = vector.multi_reduction <maximumf>, %select_n3A_61, %reduce_max3A_62 [1] : vector<256x8xf32> to vector<256xf32>
    %broadcast_in_dim3A_64 = vector.shape_cast %reduce_max3A_63 : vector<256xf32> to vector<256x1xf32>
    %eq3A_65 = vector.broadcast %broadcast_in_dim3A_64 : vector<256x1xf32> to vector<256x8xf32>
    %eq3A_66 = arith.cmpf oeq, %select_n3A_61, %eq3A_65 : vector<256x8xf32>
    %jit3A_67 = arith.constant 8 : i32
    %broadcast_in_dim3A_68 = vector.broadcast %jit3A_67 : i32 to vector<256x8xi32>
    %select_n3A_69 = arith.select %eq3A_66, %iota3A, %broadcast_in_dim3A_68 : vector<256x8xi1>, vector<256x8xi32>
    %reduce_min3A_70 = arith.constant dense<2147483647> : vector<256xi32>
    %reduce_min3A_71 = vector.multi_reduction <minsi>, %select_n3A_69, %reduce_min3A_70 [1] : vector<256x8xi32> to vector<256xi32>
    %broadcast_in_dim3A_72 = vector.shape_cast %reduce_min3A_71 : vector<256xi32> to vector<256x1xi32>
    %sub3A_73 = arith.subf %broadcast_in_dim3A_64, %broadcast_in_dim3A_52 : vector<256x1xf32>
    %exp3A = math.exp %sub3A_73 : vector<256x1xf32>
    %add3A_74 = arith.constant 1.000000e+00 : f32
    %add3A_75 = vector.broadcast %add3A_74 : f32 to vector<256x1xf32>
    %add3A_76 = arith.addf %add3A_75, %exp3A : vector<256x1xf32>
    %div3A_77 = arith.constant 1.000000e+00 : f32
    %div3A_78 = vector.broadcast %div3A_77 : f32 to vector<256x1xf32>
    %div3A_79 = arith.divf %div3A_78, %add3A_76 : vector<256x1xf32>
    %add3A_80 = arith.constant 1.000000e+00 : f32
    %add3A_81 = vector.broadcast %add3A_80 : f32 to vector<256x1xf32>
    %add3A_82 = arith.addf %add3A_81, %exp3A : vector<256x1xf32>
    %div3A_83 = arith.divf %exp3A, %add3A_82 : vector<256x1xf32>
    %concatenate3A = tpu.concatenate %broadcast_in_dim3A_56, %broadcast_in_dim3A_72 in 1 : vector<256x1xi32>, vector<256x1xi32> -> vector<256x2xi32>
    %swap3A_84 = arith.constant 0 : index
    %swap3A_85 = arith.constant 0 : index
    %swap3A_86 = vector.load %arg10[%swap3A_84, %swap3A_85] : memref<256x2xi32, #tpu.memory_space<vmem>>, vector<256x2xi32>
    tpu.vector_store %arg10[%swap3A_84, %swap3A_85], %concatenate3A {strides = array<i32>} : memref<256x2xi32, #tpu.memory_space<vmem>>, vector<256x2xi32>,
    %concatenate3A_87 = tpu.concatenate %div3A_79, %div3A_83 in 1 : vector<256x1xf32>, vector<256x1xf32> -> vector<256x2xf32>
    %swap3A_88 = arith.constant 0 : index
    %swap3A_89 = arith.constant 0 : index
    %swap3A_90 = vector.load %arg11[%swap3A_88, %swap3A_89] : memref<256x2xf32, #tpu.memory_space<vmem>>, vector<256x2xf32>
    tpu.vector_store %arg11[%swap3A_88, %swap3A_89], %concatenate3A_87 {strides = array<i32>} : memref<256x2xf32, #tpu.memory_space<vmem>>, vector<256x2xf32>,
    return
  }
  func.func @transform_0(%arg0: i32) -> (i32, i32) {
    %c0_i32 = arith.constant 0 : i32
    %c0_i32_0 = arith.constant 0 : i32
    return %arg0, %c0_i32 : i32, i32
  }
  func.func @transform_1(%arg0: i32) -> (i32, i32) {
    %c0_i32 = arith.constant 0 : i32
    %c0_i32_0 = arith.constant 0 : i32
    return %arg0, %c0_i32 : i32, i32
  }
  func.func @transform_2(%arg0: i32) -> (i32, i32) {
    %c0_i32 = arith.constant 0 : i32
    %c0_i32_0 = arith.constant 0 : i32
    %c0_i32_1 = arith.constant 0 : i32
    return %c0_i32, %c0_i32_0 : i32, i32
  }
  func.func @transform_3(%arg0: i32) -> (i32, i32) {
    %c0_i32 = arith.constant 0 : i32
    %c0_i32_0 = arith.constant 0 : i32
    %c0_i32_1 = arith.constant 0 : i32
    return %c0_i32, %c0_i32_0 : i32, i32
  }
  func.func @transform_4(%arg0: i32) -> (i32, i32) {
    %c0_i32 = arith.constant 0 : i32
    %c0_i32_0 = arith.constant 0 : i32
    %c0_i32_1 = arith.constant 0 : i32
    return %c0_i32, %c0_i32_0 : i32, i32
  }
  func.func @transform_5(%arg0: i32) -> (i32, i32) {
    %c0_i32 = arith.constant 0 : i32
    %c0_i32_0 = arith.constant 0 : i32
    %c0_i32_1 = arith.constant 0 : i32
    return %c0_i32, %c0_i32_0 : i32, i32
  }
  func.func @transform_6(%arg0: i32) -> (i32, i32) {
    %c0_i32 = arith.constant 0 : i32
    %c0_i32_0 = arith.constant 0 : i32
    %c0_i32_1 = arith.constant 0 : i32
    return %c0_i32, %c0_i32_0 : i32, i32
  }
  func.func @transform_7(%arg0: i32) -> (i32, i32) {
    %c0_i32 = arith.constant 0 : i32
    %c0_i32_0 = arith.constant 0 : i32
    return %arg0, %c0_i32 : i32, i32
  }
  func.func @transform_8(%arg0: i32) -> (i32, i32) {
    %c0_i32 = arith.constant 0 : i32
    %c0_i32_0 = arith.constant 0 : i32
    return %arg0, %c0_i32 : i32, i32
  }
  func.func @transform_9(%arg0: i32) -> (i32, i32) {
    %c0_i32 = arith.constant 0 : i32
    %c0_i32_0 = arith.constant 0 : i32
    return %arg0, %c0_i32 : i32, i32
  }
  func.func @transform_10(%arg0: i32) -> (i32, i32) {
    %c0_i32 = arith.constant 0 : i32
    %c0_i32_0 = arith.constant 0 : i32
    return %arg0, %c0_i32 : i32, i32
  }
}

module attributes {stable_mosaic.version = 14 : i64} {
  func.func @_moe_body(%arg0: i32, %arg1: memref<40xi32, #tpu.memory_space<smem>>, %arg2: memref<40xi32, #tpu.memory_space<smem>>, %arg3: memref<2048x768xbf16, #tpu.memory_space<vmem>>, %arg4: memref<1x768x3072xbf16, #tpu.memory_space<vmem>>, %arg5: memref<1x1x3072xf32, #tpu.memory_space<vmem>>, %arg6: memref<1x3072x768xbf16, #tpu.memory_space<vmem>>, %arg7: memref<1x1x768xf32, #tpu.memory_space<vmem>>, %arg8: memref<1x1x128xi32, #tpu.memory_space<vmem>>, %arg9: memref<1x1x128xf32, #tpu.memory_space<vmem>>, %arg10: memref<2048x768xf32, #tpu.memory_space<vmem>>, %arg11: memref<2048x768xf32, #tpu.memory_space<vmem>>) attributes {dimension_semantics = [#tpu.dimension_semantics<arbitrary>], iteration_bounds = array<i64: 40>, scalar_prefetch = 2 : i64, scratch_operands = 0 : i64, tpu.core_type = #tpu.core_type<tc>, window_params = [{pipeline_mode = #tpu.pipeline_mode<synchronous>, transform_indices = @transform_0, window_bounds = array<i64: 2048, 768>}, {transform_indices = @transform_1, window_bounds = array<i64: 1, 768, 3072>}, {transform_indices = @transform_2, window_bounds = array<i64: 1, 1, 3072>}, {transform_indices = @transform_3, window_bounds = array<i64: 1, 3072, 768>}, {transform_indices = @transform_4, window_bounds = array<i64: 1, 1, 768>}, {transform_indices = @transform_5, window_bounds = array<i64: 1, 1, 128>}, {transform_indices = @transform_6, window_bounds = array<i64: 1, 1, 128>}, {pipeline_mode = #tpu.pipeline_mode<synchronous>, transform_indices = @transform_7, window_bounds = array<i64: 2048, 768>}, {pipeline_mode = #tpu.pipeline_mode<synchronous>, transform_indices = @transform_8, window_bounds = array<i64: 2048, 768>}]} {
    %eq3A = arith.constant 0 : i32
    %eq3A_0 = arith.cmpi eq, %arg0, %eq3A : i32
    %convert_element_type3A = arith.extui %eq3A_0 : i1 to i32
    %cond3A = arith.constant 0 : i32
    %cond3A_1 = arith.cmpi ne, %convert_element_type3A, %cond3A : i32
    scf.if %cond3A_1 {
      %get3A_7 = arith.constant 0 : index
      %get3A_8 = arith.constant 0 : index
      %get3A_9 = vector.load %arg10[%get3A_7, %get3A_8] : memref<2048x768xf32, #tpu.memory_space<vmem>>, vector<2048x768xf32>
      %swap3A = arith.constant 0 : index
      %swap3A_10 = arith.constant 0 : index
      %swap3A_11 = vector.load %arg11[%swap3A, %swap3A_10] : memref<2048x768xf32, #tpu.memory_space<vmem>>, vector<2048x768xf32>
      tpu.vector_store %arg11[%swap3A, %swap3A_10], %get3A_9 {strides = array<i32>} : memref<2048x768xf32, #tpu.memory_space<vmem>>, vector<2048x768xf32>,
    } else {
    }
    %get3A = arith.index_cast %arg0 : i32 to index
    %get3A_2 = memref.load %arg2[%get3A] : memref<40xi32, #tpu.memory_space<smem>>
    %gt3A = arith.constant 0 : i32
    %gt3A_3 = arith.cmpi sgt, %get3A_2, %gt3A : i32
    %convert_element_type3A_4 = arith.extui %gt3A_3 : i1 to i32
    %cond3A_5 = arith.constant 0 : i32
    %cond3A_6 = arith.cmpi ne, %convert_element_type3A_4, %cond3A_5 : i32
    scf.if %cond3A_6 {
      %get3A_7 = arith.constant 0 : index
      %get3A_8 = arith.constant 0 : index
      %get3A_9 = arith.constant 0 : index
      %get3A_10 = vector.load %arg8[%get3A_7, %get3A_8, %get3A_9] : memref<1x1x128xi32, #tpu.memory_space<vmem>>, vector<1x1x128xi32>
      %get3A_11 = vector.shape_cast %get3A_10 : vector<1x1x128xi32> to vector<1x128xi32>
      %iota3A = tpu.iota {dimensions = array<i32: 0>} : vector<2048x128xi32>
      %eq3A_12 = vector.broadcast %get3A_11 : vector<1x128xi32> to vector<2048x128xi32>
      %eq3A_13 = arith.cmpi eq, %iota3A, %eq3A_12 : vector<2048x128xi32>
      %convert_element_type3A_14 = arith.extui %eq3A_13 : vector<2048x128xi1> to vector<2048x128xi32>
      %convert_element_type3A_15 = arith.sitofp %convert_element_type3A_14 : vector<2048x128xi32> to vector<2048x128xf32>
      %convert_element_type3A_16 = arith.truncf %convert_element_type3A_15 : vector<2048x128xf32> to vector<2048x128xbf16>
      %get3A_17 = arith.constant 0 : index
      %get3A_18 = arith.constant 0 : index
      %get3A_19 = vector.load %arg3[%get3A_17, %get3A_18] : memref<2048x768xbf16, #tpu.memory_space<vmem>>, vector<2048x768xbf16>
      %dot_general3A = arith.constant dense<0.000000e+00> : vector<128x768xf32>
      %dot_general3A_20 = tpu.matmul %convert_element_type3A_16, %get3A_19, %dot_general3A {dimension_numbers = #tpu.dot_dimension_numbers<[0], [0], [1], [1], [0, 1, 1, 1], [], []>, transpose_lhs_hint = false} : vector<2048x128xbf16>, vector<2048x768xbf16>, vector<128x768xf32> -> vector<128x768xf32>
      %convert_element_type3A_21 = arith.truncf %dot_general3A_20 : vector<128x768xf32> to vector<128x768xbf16>
      %get3A_22 = arith.constant 0 : index
      %get3A_23 = arith.constant 0 : index
      %get3A_24 = arith.constant 0 : index
      %get3A_25 = vector.load %arg4[%get3A_22, %get3A_23, %get3A_24] : memref<1x768x3072xbf16, #tpu.memory_space<vmem>>, vector<1x768x3072xbf16>
      %get3A_26 = vector.shape_cast %get3A_25 : vector<1x768x3072xbf16> to vector<768x3072xbf16>
      %dot_general3A_27 = arith.constant dense<0.000000e+00> : vector<128x3072xf32>
      %dot_general3A_28 = tpu.matmul %convert_element_type3A_21, %get3A_26, %dot_general3A_27 {dimension_numbers = #tpu.dot_dimension_numbers<[1], [0], [0], [1], [0, 0, 1, 1], [], []>, transpose_lhs_hint = false} : vector<128x768xbf16>, vector<768x3072xbf16>, vector<128x3072xf32> -> vector<128x3072xf32>
      %get3A_29 = arith.constant 0 : index
      %get3A_30 = arith.constant 0 : index
      %get3A_31 = arith.constant 0 : index
      %get3A_32 = vector.load %arg5[%get3A_29, %get3A_30, %get3A_31] : memref<1x1x3072xf32, #tpu.memory_space<vmem>>, vector<1x1x3072xf32>
      %get3A_33 = vector.shape_cast %get3A_32 : vector<1x1x3072xf32> to vector<1x3072xf32>
      %add3A = vector.broadcast %get3A_33 : vector<1x3072xf32> to vector<128x3072xf32>
      %add3A_34 = arith.addf %dot_general3A_28, %add3A : vector<128x3072xf32>
      %mul3A = arith.constant 5.000000e-01 : f32
      %mul3A_35 = vector.broadcast %mul3A : f32 to vector<128x3072xf32>
      %mul3A_36 = arith.mulf %add3A_34, %mul3A_35 : vector<128x3072xf32>
      %mul3A_37 = arith.constant 0.707106769 : f32
      %mul3A_38 = vector.broadcast %mul3A_37 : f32 to vector<128x3072xf32>
      %mul3A_39 = arith.mulf %add3A_34, %mul3A_38 : vector<128x3072xf32>
      %erf3A = math.erf %mul3A_39 : vector<128x3072xf32>
      %add3A_40 = arith.constant 1.000000e+00 : f32
      %add3A_41 = vector.broadcast %add3A_40 : f32 to vector<128x3072xf32>
      %add3A_42 = arith.addf %add3A_41, %erf3A : vector<128x3072xf32>
      %mul3A_43 = arith.mulf %mul3A_36, %add3A_42 : vector<128x3072xf32>
      %convert_element_type3A_44 = arith.truncf %mul3A_43 : vector<128x3072xf32> to vector<128x3072xbf16>
      %get3A_45 = arith.constant 0 : index
      %get3A_46 = arith.constant 0 : index
      %get3A_47 = arith.constant 0 : index
      %get3A_48 = vector.load %arg6[%get3A_45, %get3A_46, %get3A_47] : memref<1x3072x768xbf16, #tpu.memory_space<vmem>>, vector<1x3072x768xbf16>
      %get3A_49 = vector.shape_cast %get3A_48 : vector<1x3072x768xbf16> to vector<3072x768xbf16>
      %dot_general3A_50 = arith.constant dense<0.000000e+00> : vector<128x768xf32>
      %dot_general3A_51 = tpu.matmul %convert_element_type3A_44, %get3A_49, %dot_general3A_50 {dimension_numbers = #tpu.dot_dimension_numbers<[1], [0], [0], [1], [0, 0, 1, 1], [], []>, transpose_lhs_hint = false} : vector<128x3072xbf16>, vector<3072x768xbf16>, vector<128x768xf32> -> vector<128x768xf32>
      %get3A_52 = arith.constant 0 : index
      %get3A_53 = arith.constant 0 : index
      %get3A_54 = arith.constant 0 : index
      %get3A_55 = vector.load %arg7[%get3A_52, %get3A_53, %get3A_54] : memref<1x1x768xf32, #tpu.memory_space<vmem>>, vector<1x1x768xf32>
      %get3A_56 = vector.shape_cast %get3A_55 : vector<1x1x768xf32> to vector<1x768xf32>
      %add3A_57 = vector.broadcast %get3A_56 : vector<1x768xf32> to vector<128x768xf32>
      %add3A_58 = arith.addf %dot_general3A_51, %add3A_57 : vector<128x768xf32>
      %get3A_59 = arith.constant 0 : index
      %get3A_60 = arith.constant 0 : index
      %get3A_61 = arith.constant 0 : index
      %get3A_62 = vector.load %arg9[%get3A_59, %get3A_60, %get3A_61] : memref<1x1x128xf32, #tpu.memory_space<vmem>>, vector<1x1x128xf32>
      %get3A_63 = vector.shape_cast %get3A_62 : vector<1x1x128xf32> to vector<1x128xf32>
      %mul3A_64 = vector.broadcast %get3A_63 : vector<1x128xf32> to vector<2048x128xf32>
      %mul3A_65 = arith.mulf %convert_element_type3A_15, %mul3A_64 : vector<2048x128xf32>
      %convert_element_type3A_66 = arith.truncf %mul3A_65 : vector<2048x128xf32> to vector<2048x128xbf16>
      %get3A_67 = arith.constant 0 : index
      %get3A_68 = arith.constant 0 : index
      %get3A_69 = vector.load %arg11[%get3A_67, %get3A_68] : memref<2048x768xf32, #tpu.memory_space<vmem>>, vector<2048x768xf32>
      %convert_element_type3A_70 = arith.truncf %add3A_58 : vector<128x768xf32> to vector<128x768xbf16>
      %dot_general3A_71 = arith.constant dense<0.000000e+00> : vector<2048x768xf32>
      %dot_general3A_72 = tpu.matmul %convert_element_type3A_66, %convert_element_type3A_70, %dot_general3A_71 {dimension_numbers = #tpu.dot_dimension_numbers<[1], [0], [0], [1], [0, 0, 1, 1], [], []>, transpose_lhs_hint = false} : vector<2048x128xbf16>, vector<128x768xbf16>, vector<2048x768xf32> -> vector<2048x768xf32>
      %add3A_73 = arith.addf %get3A_69, %dot_general3A_72 : vector<2048x768xf32>
      %swap3A = arith.constant 0 : index
      %swap3A_74 = arith.constant 0 : index
      %swap3A_75 = vector.load %arg11[%swap3A, %swap3A_74] : memref<2048x768xf32, #tpu.memory_space<vmem>>, vector<2048x768xf32>
      tpu.vector_store %arg11[%swap3A, %swap3A_74], %add3A_73 {strides = array<i32>} : memref<2048x768xf32, #tpu.memory_space<vmem>>, vector<2048x768xf32>,
    } else {
    }
    return
  }
  func.func @transform_0(%arg0: i32, %arg1: memref<40xi32, #tpu.memory_space<smem>>, %arg2: memref<40xi32, #tpu.memory_space<smem>>) -> (i32, i32) {
    %c0_i32 = arith.constant 0 : i32
    %c0_i32_0 = arith.constant 0 : i32
    %c0_i32_1 = arith.constant 0 : i32
    return %c0_i32, %c0_i32_0 : i32, i32
  }
  func.func @transform_1(%arg0: i32, %arg1: memref<40xi32, #tpu.memory_space<smem>>, %arg2: memref<40xi32, #tpu.memory_space<smem>>) -> (i32, i32, i32) {
    %get3A = arith.index_cast %arg0 : i32 to index
    %get3A_0 = memref.load %arg1[%get3A] : memref<40xi32, #tpu.memory_space<smem>>
    %c0_i32 = arith.constant 0 : i32
    %c0_i32_1 = arith.constant 0 : i32
    %c0_i32_2 = arith.constant 0 : i32
    return %get3A_0, %c0_i32, %c0_i32_1 : i32, i32, i32
  }
  func.func @transform_2(%arg0: i32, %arg1: memref<40xi32, #tpu.memory_space<smem>>, %arg2: memref<40xi32, #tpu.memory_space<smem>>) -> (i32, i32, i32) {
    %get3A = arith.index_cast %arg0 : i32 to index
    %get3A_0 = memref.load %arg1[%get3A] : memref<40xi32, #tpu.memory_space<smem>>
    %c0_i32 = arith.constant 0 : i32
    %c0_i32_1 = arith.constant 0 : i32
    %c0_i32_2 = arith.constant 0 : i32
    return %get3A_0, %c0_i32, %c0_i32_1 : i32, i32, i32
  }
  func.func @transform_3(%arg0: i32, %arg1: memref<40xi32, #tpu.memory_space<smem>>, %arg2: memref<40xi32, #tpu.memory_space<smem>>) -> (i32, i32, i32) {
    %get3A = arith.index_cast %arg0 : i32 to index
    %get3A_0 = memref.load %arg1[%get3A] : memref<40xi32, #tpu.memory_space<smem>>
    %c0_i32 = arith.constant 0 : i32
    %c0_i32_1 = arith.constant 0 : i32
    %c0_i32_2 = arith.constant 0 : i32
    return %get3A_0, %c0_i32, %c0_i32_1 : i32, i32, i32
  }
  func.func @transform_4(%arg0: i32, %arg1: memref<40xi32, #tpu.memory_space<smem>>, %arg2: memref<40xi32, #tpu.memory_space<smem>>) -> (i32, i32, i32) {
    %get3A = arith.index_cast %arg0 : i32 to index
    %get3A_0 = memref.load %arg1[%get3A] : memref<40xi32, #tpu.memory_space<smem>>
    %c0_i32 = arith.constant 0 : i32
    %c0_i32_1 = arith.constant 0 : i32
    %c0_i32_2 = arith.constant 0 : i32
    return %get3A_0, %c0_i32, %c0_i32_1 : i32, i32, i32
  }
  func.func @transform_5(%arg0: i32, %arg1: memref<40xi32, #tpu.memory_space<smem>>, %arg2: memref<40xi32, #tpu.memory_space<smem>>) -> (i32, i32, i32) {
    %c0_i32 = arith.constant 0 : i32
    %c0_i32_0 = arith.constant 0 : i32
    %c0_i32_1 = arith.constant 0 : i32
    return %arg0, %c0_i32, %c0_i32_0 : i32, i32, i32
  }
  func.func @transform_6(%arg0: i32, %arg1: memref<40xi32, #tpu.memory_space<smem>>, %arg2: memref<40xi32, #tpu.memory_space<smem>>) -> (i32, i32, i32) {
    %c0_i32 = arith.constant 0 : i32
    %c0_i32_0 = arith.constant 0 : i32
    %c0_i32_1 = arith.constant 0 : i32
    return %arg0, %c0_i32, %c0_i32_0 : i32, i32, i32
  }
  func.func @transform_7(%arg0: i32, %arg1: memref<40xi32, #tpu.memory_space<smem>>, %arg2: memref<40xi32, #tpu.memory_space<smem>>) -> (i32, i32) {
    %c0_i32 = arith.constant 0 : i32
    %c0_i32_0 = arith.constant 0 : i32
    %c0_i32_1 = arith.constant 0 : i32
    return %c0_i32, %c0_i32_0 : i32, i32
  }
  func.func @transform_8(%arg0: i32, %arg1: memref<40xi32, #tpu.memory_space<smem>>, %arg2: memref<40xi32, #tpu.memory_space<smem>>) -> (i32, i32) {
    %c0_i32 = arith.constant 0 : i32
    %c0_i32_0 = arith.constant 0 : i32
    %c0_i32_1 = arith.constant 0 : i32
    return %c0_i32, %c0_i32_0 : i32, i32
  }
}

</mosaic_0001>

<sc_bundles>
// kernel: gather_offload_async_start.1
scs
__scs_entry_jumppad:
0x0: {  	(pc) =	sbr.rel $0x88, $3  }
0x1: {  	(tag) =	ssettag $0x0;
	lr =	simm.s32 $0x1  }
0x2: {  	[smem:$0x3F93] =	sst lr;
	_ =	strace $0xD0000000  }
0x3: {  	_ = 	snop  }
0x4: {  	_ = 	snop  }
0x5: {  	_ = 	snop  }
0x6: {  	_ = 	snop  }
0x7: {  	_ = 	snop  }
__scs_overlays_trampoline_lowered:
0x8: {  	[smem:$0x3FA2] =	sst s0  }
0x9: {  	[smem:$0x3FA3] =	sst s1  }
0xa: {  	[smem:$0x3FA4] =	sst s2  }
0xb: {  	[smem:$0x3FA5] =	sst s3  }
0xc: {  	[smem:$0x3FA6] =	sst s4  }
0xd: {  	[smem:$0x3FA7] =	sst s5  }
0xe: {  	[smem:$0x3FA8] =	sst s6  }
0xf: {  	[smem:$0x3FA9] =	sst s7  }
0x10: {  	[smem:$0x3FAA] =	sst s8  }
0x11: {  	[smem:$0x3FAB] =	sst s9;
	s0 =	simm.s32 @!p0 $0x0  }
0x12: {  	s1 =	sld [smem:$0x3F91];
	s0 =	simm.s32 @p0 $0x1  }
0x13: {  	[smem:$0x3FAC] =	sst s0;
	s0 =	simm.s32 @!p1 $0x0  }
0x14: {  	s2 =	sld [smem:$0x3F90];
	s0 =	simm.s32 @p1 $0x1  }
0x15: {  	[smem:$0x3FAD] =	sst s0;
	s0 =	simm.s32 @!p2 $0x0  }
0x16: {  	s3 =	sld [smem:$0x3FDB];
	s0 =	simm.s32 @p2 $0x1  }
0x17: {  	s4 =	simm.s32 $0x1BF5;
	[smem:$0x3FAF] =	sst s0  }
0x18: {  	s0 =	sld [smem:$0x3F92];
	_ =	swait.ge [sflag:s4], $0x0  }
0x19: {  	s7 =	sld [smem:$0x3F93]  }
0x1a: {  	s8 =	sadd.s32 $0xFFFFE003, lr  }
0x1b: {  	s9 =	sadd.s32 $0xFFFFFEF7, lr;
	s5 =	simm.s32 $0xFFFFFFFF;
	p2 =	slt.u32 s8, $0xFFFFF086  }
0x1c: {  	p1 =	slt.u32 s9, $0xF7A;
	s5 =	simm.s32 @!p2 $0x0  }
0x1d: {  	s5 =	simm.s32 @p1 $0x1;
	p0 =	seq.s32 s7, s2  }
0x1e: {  	s7 =	smul.u32 @!p0 $0xF7A, s2;
	p2 =	seq.s32 @!p0 s5, $0x0  }
0x1f: {  	s9 =	smul.u32 $0xF7A, s1;
	s8 =	simm.s32 @!p0 $0x1BF5;
	p2 =	por !p2, p0  }
0x20: {  	[sflag:s8] =	ssyncset.s32 @!p0 $0xFFFFF086;
	s6 =	sadd.s32 @!p0 s3, s7;
	s7 =	simm.s32 @!p0 $0x108  }
0x21: {  	s3 =	sadd.s32 s3, s9;
	s6 =	sadd.s32 @!p0 $0x88, s6;
	s7 =	simm.s32 @p2 $0x1082  }
0x22: {  	[simem:s7], [sflag:s8] =	dma.local @!p0 [hbm:s6], $0xF7A  }
0x23: {  	s9 =	sor.u32 $0xD0000000, s2;
	s6 =	simm.s32 $0x108;
	_ =	swait.ge @!p0 [sflag:s8], $0x0  }
0x24: {  	s3 =	sadd.s32 $0x88, s3;
	s6 =	simm.s32 @!p1 $0x1082;
	[sflag:s4] =	ssyncset.s32 $0xFFFFF086  }
0x25: {  	[simem:s6], [sflag:s4] =	dma.local [hbm:s3], $0xF7A  }
0x26: {  	[smem:$0x3F93] =	sst s1;
	(tag) =	ssettag s2;
	_ =	strace s9  }
0x27: {  	s1 =	sld [smem:$0x3FA3]  }
0x28: {  	s2 =	sld [smem:$0x3FA4]  }
0x29: {  	s4 =	sld [smem:$0x3FA6]  }
0x2a: {  	p0 =	seq.s32 s5, $0x0;
	s5 =	sld [smem:$0x3FA7]  }
0x2b: {  	s6 =	sld [smem:$0x3FA8]  }
0x2c: {  	s7 =	sld [smem:$0x3FA9]  }
0x2d: {  	s3 =	simm.s32 $0x108;
	s8 =	sld [smem:$0x3FAA]  }
0x2e: {  	s3 =	simm.s32 @!p0 $0x1082;
	s9 =	sld [smem:$0x3FAB]  }
0x2f: {  	lr =	sadd.s32 s0, s3;
	s0 =	sld [smem:$0x3FA2]  }
0x30: {  	s3 =	sld [smem:$0x3FA5]  }
0x31: {  	[smem:$0x3FAE] =	sst s10  }
0x32: {  	s10 =	sld [smem:$0x3FAC];
	_ =	sdelay $0x3  }
0x33: {  	p0 =	seq.s32 s10, $0x1;
	s10 =	sld [smem:$0x3FAE];
	_ =	sdelay $0x3  }
0x34: {  	[smem:$0x3FAE] =	sst s10  }
0x35: {  	s10 =	sld [smem:$0x3FAD];
	_ =	sdelay $0x3  }
0x36: {  	p1 =	seq.s32 s10, $0x1;
	s10 =	sld [smem:$0x3FAE];
	_ =	sdelay $0x3  }
0x37: {  	[smem:$0x3FAE] =	sst s10  }
0x38: {  	s10 =	sld [smem:$0x3FAF]  }
0x39: {  	_ = 	snop;
	(pc) =	sbr.ind lr, $3  }
0x3a: {  	_ = 	snop  }
0x3b: {  	_ = 	snop  }
0x3c: {  	p2 =	seq.s32 s10, $0x1;
	s10 =	sld [smem:$0x3FAE]  }
0x3d: {  	_ =	shalt  }
0x3e: {  	_ =	shalt  }
0x3f: {  	_ =	shalt  }
0x40: {  	_ =	shalt  }
0x41: {  	_ =	shalt  }
0x42: {  	_ =	shalt  }
0x43: {  	_ =	shalt  }
0x44: {  	_ =	shalt  }
0x45: {  	_ =	shalt  }
0x46: {  	_ =	shalt  }
0x47: {  	_ =	shalt  }
0x48: {  	_ =	shalt  }
0x49: {  	_ =	shalt  }
0x4a: {  	_ =	shalt  }
0x4b: {  	_ =	shalt  }
0x4c: {  	_ =	shalt  }
0x4d: {  	_ =	shalt  }
0x4e: {  	_ =	shalt  }
0x4f: {  	_ =	shalt  }
0x50: {  	_ =	shalt  }
0x51: {  	_ =	shalt  }
0x52: {  	_ =	shalt  }
0x53: {  	_ =	shalt  }
0x54: {  	_ =	shalt  }
0x55: {  	_ =	shalt  }
0x56: {  	_ =	shalt  }
0x57: {  	_ =	shalt  }
0x58: {  	_ =	shalt  }
0x59: {  	_ =	shalt  }
0x5a: {  	_ =	shalt  }
0x5b: {  	_ =	shalt  }
0x5c: {  	_ =	shalt  }
0x5d: {  	_ =	shalt  }
0x5e: {  	_ =	shalt  }
0x5f: {  	_ =	shalt  }
0x60: {  	_ =	shalt  }
0x61: {  	_ =	shalt  }
0x62: {  	_ =	shalt  }
0x63: {  	_ =	shalt  }
0x64: {  	_ =	shalt  }
0x65: {  	_ =	shalt  }
0x66: {  	_ =	shalt  }
0x67: {  	_ =	shalt  }
0x68: {  	_ =	shalt  }
0x69: {  	_ =	shalt  }
0x6a: {  	_ =	shalt  }
0x6b: {  	_ =	shalt  }
0x6c: {  	_ =	shalt  }
0x6d: {  	_ =	shalt  }
0x6e: {  	_ =	shalt  }
0x6f: {  	_ =	shalt  }
0x70: {  	_ =	shalt  }
0x71: {  	_ =	shalt  }
0x72: {  	_ =	shalt  }
0x73: {  	_ =	shalt  }
0x74: {  	_ =	shalt  }
0x75: {  	_ =	shalt  }
0x76: {  	_ =	shalt  }
0x77: {  	_ =	shalt  }
0x78: {  	_ =	shalt  }
0x79: {  	_ =	shalt  }
0x7a: {  	_ =	shalt  }
0x7b: {  	_ =	shalt  }
0x7c: {  	_ =	shalt  }
0x7d: {  	_ =	shalt  }
0x7e: {  	_ =	shalt  }
0x7f: {  	_ =	shalt  }
0x80: {  	_ =	shalt  }
0x81: {  	_ =	shalt  }
0x82: {  	_ =	shalt  }
0x83: {  	_ =	shalt  }
0x84: {  	_ =	shalt  }
0x85: {  	_ =	shalt  }
0x86: {  	_ =	shalt  }
0x87: {  	_ =	shalt  }
.Lfunc_end0:
.L_simem_size_0:
called_computation.2_lowered:
.L_overlay_start_0:
0x88: {  	s2 =	sld [smem:$0x3FD9]  }
0x89: {  	s3 =	sld [smem:$0x3FFE];
	_ =	sdelay $0x1  }
0x8a: {  	s1 =	srdreg.scid  }
0x8b: {  	s0 =	sand.u32 $0x1, s1  }
0x8c: {  	s17 =	sshll.u32 s0, $0xA;
	s2 =	sadd.s32 s3, s2  }
0x8d: {  	s2 =	sadd.s32 s2, s17  }
0x8e: {  	[smem:$0x3FBA] =	sst s2  }
0x8f: {  	_ = 	snop  }
0x90: {  	s2 =	sld [smem:$0x3FD0];
	(tm) =	ssettm $0x1  }
0x91: {  	s18 =	sld [smem:$0x3FFB];
	_ =	sdelay $0x3  }
0x92: {  	_ =	strace s18  }
0x93: {  	s3 =	sld [smem:$0x3FFC];
	_ =	sdelay $0x3  }
0x94: {  	_ =	strace s3  }
0x95: {  	s3 =	sld [smem:$0x3FFD];
	_ =	sdelay $0x3  }
0x96: {  	_ =	strace s3  }
0x97: {  	_ =	strace $0x8FFFFFFF  }
0x98: {  	s19 =	sld [smem:$0x3FDB];
	_ =	sdelay $0x1  }
0x99: {  	s4 =	simm.s32 $_scs_section_size  }
0x9a: {  	s5 =	simm.s32 $_size__tile_overlayer_lowered;
	s6 =	simm.s32 $_tile_overlayer_lowered  }
0x9b: {  	s22 =	simm.s32 $0x1BFF;
	s21 =	sshll.u32 s6, $0x1;
	s3 =	sadd.s32 s4, s19  }
0x9c: {  	s7 =	simm.s32 $0x0;
	s20 =	sshll.u32 s5, $0x1;
	s5 =	sadd.s32 s21, s3  }
0x9d: {  	[timem:s7], [sflag:s22] =	dma.local [hbm:s5], s20  }
0x9e: {  	_ =	swait.ge [sflag:s22], s20  }
0x9f: {  	s4 =	ssub.s32 $0x0, s20;
	[sflag:s22] =	ssyncset.done $0x0  }
0xa0: {  	[sflag:s22] =	ssyncadd.s32 s4;
	_ =	sdelay $0x1  }
0xa1: {  	s23 =	simm.s32 $0x1B8B  }
0xa2: {  	_ =	swait.ge [sflag:s23], $0x1  }
0xa3: {  	[sflag:s23] =	ssyncset.done $0x0  }
0xa4: {  	s25 =	simm.s32 $0x1B8E;
	s24 =	sld [smem:$0x3FFE];
	[sflag:s23] =	ssyncadd.s32 $0xFFFFFFFF  }
0xa5: {  	s26 =	simm.s32 $execute0_lowered;
	[smem:$0x3FD2] =	sst s25  }
0xa6: {  	s5 =	sshll.u32 s26, $0x1;
	_ =	strace $0x8000004C;
	[dreg:$0x1] =	wrdreg $0xFFFFFFFF  }
0xa7: {  	s28 =	simm.s32 $_size_execute0_lowered;
	s3 =	sadd.s32 s3, s5;
	[dreg:$0x0] =	wrdreg $0x0  }
0xa8: {  	s5 =	sshll.u32 s28, $0x1;
	[dreg:$0x2] =	wrdreg s3  }
0xa9: {  	[dreg:$0x3] =	wrdreg s5  }
0xaa: {  	[dreg:$0x4] =	wrdreg $0xC0  }
0xab: {  	_ =	task [dreg:s7], $0x5FFFF  }
0xac: {  	[dreg:$0x1] =	wrdreg $0xFFFFFFFF  }
0xad: {  	[dreg:$0x0] =	wrdreg $0x60  }
0xae: {  	[dreg:$0x2] =	wrdreg s24  }
0xaf: {  	[dreg:$0x3] =	wrdreg s2  }
0xb0: {  	[dreg:$0x4] =	wrdreg $0x9  }
0xb1: {  	_ =	task.clear_ibuf [dreg:s7], $0x5FFFF;
	_ =	strace $0x9000004C  }
0xb2: {  	s29 =	simm.s32 $0x9;
	_ =	strace $0x8000004E  }
0xb3: {  	_ =	swait.ge [sflag:s29], $0x1  }
0xb4: {  	[sflag:s29] =	ssyncadd.s32 $0xFFFFFFFF  }
0xb5: {  	_ =	strace $0x9000004E  }
0xb6: {  	_ =	sfence  }
0xb7: {  	s30 =	sld [smem:$0x0];
	_ =	sdelay $0x2  }
0xb8: {  	s31 =	sshll.u32 s1, $0xD;
	s1 =	sshrl.u32 s1, $0x2  }
0xb9: {  	s3 =	sand.u32 $0x4000, s31;
	s1 =	sadd.s32 s1, s30  }
0xba: {  	s0 =	sor.u32 s3, s0;
	s1 =	sshll.u32 s1, $0x11  }
0xbb: {  	s0 =	sor.u32 s1, s0  }
0xbc: {  	s0 =	sadd.s32 $0x8F2B, s0  }
0xbd: {  	[sflag:s0] =	ssyncadd.remote.s32 $0x1  }
0xbe: {  	_ =	sfence.sel $0xFFFF  }
0xbf: {  	[dreg:$0x0] =	wrdreg $0xFFFFFFFF;
	(pc) =	sbr.abs _section_cstart, $3  }
0xc0: {  	[dreg:$0x1] =	wrdreg $0xFFFFFFFF  }
0xc1: {  	_ =	task.clear_ibuf [dreg:s7], $0x2FFFF;
	_ =	strace $0x9FFFFFFF  }
0xc2: {  	(tm) =	ssettm $0x7FFFFFFF  }
0xc3: {  	_ =	shalt  }
tec
execute0_lowered:
.L_overlay_start_1:
0x0: {  	(tag) =	ssettag $0x1  }
0x1: {  	s1 =	srdreg.scid;
	s5 =	rddreg [dreg:$0x0]  }
0x2: {  	s0 =	stileid.u32;
	s2 =	rddreg [dreg:$0x1];
	s6 =	simm.s32 $0x1  }
0x3: {  	s9 =	simm.s32 $0x1;
	s10 =	simm.s32 $0x3;
	s1 =	sshll.u32 s1, $0x6  }
0x4: {  	s13 =	simm.s32 $0x0;
	s3 =	sshll.u32 s0, $0x7;
	s4 =	sand.u32 $0x40, s1  }
0x5: {  	s12 =	simm.s32 $0x0;
	s1 =	rddreg [dreg:$0x2];
	s3 =	sor.u32 s3, s4  }
0x6: {  	_ =	strace $0x8000004D;
	s4 =	sadd.s32 $0x200, s5;
	s8 =	ssub.s32 $0x1000, s3  }
.Ltmp0:
0x7: {  	s5 =	sadd.s32 $0x400, s5;
	s7 =	sand.u32 $0x7C0, s8;
	(pc) =	sbr.rel .LBB2_1-.Ltmp0, $4  }
0x8: {  	[sflag:s6] =	ssyncpa.u1 $0x0;
	s11 =	smov.u32 s3;
	p0 =	sne.s32 s7, $0x0  }
0x9: {  	s8 =	sshrl.u32 s8, $0xB;
	s7 =	simm.s32 $0x2;
	s9 =	simm.s32 @!p0 $0x0  }
0xa: {  	[sflag:s7] =	ssyncpa.u1 $0x0;
	p0 =	por $0x0, $0x0;
	s8 =	sadd.s32 s9, s8  }
0xb: {  	vm0 =	vmmov $0xffff;
	[sflag:s10] =	ssyncpa.u1 $0x0;
	s10 =	simm.s32 $0x0;
	s9 =	sadd.s32 $0x1, s8  }
.LBB2_4:
0xc: {  	v2 =	vnsel vm1, $0x0, v2  }
0xd: {  	vm1 =	vgt.s32 v0, $0x0;
	v2 =	vmin.u32 v2, $0xFFF  }
0xe: {  	v0 =	vnsel vm1, $0x0, v0  }
0xf: {  	v0 =	vmin.u32 v0, $0xFFF  }
0x10: {  	[tilespmem:s15], [sflag:$0x1] =	stream.indirect_vreg.gather [hbm4b:s4+s10], $0x1, v1, vm0, $0x4038;
	[tilespmem:$0x100] =	vst v63  }
0x11: {  	(ifvalue) =	ssetifvalue $0x7FFFFFFF  }
0x12: {  	[tilespmem:s16], [sflag:$0x1] =	stream.indirect_vreg.gather [hbm4b:s4+s10], $0x1, v2, vm0, $0x4038;
	[tilespmem:$0x100] =	vst v63  }
0x13: {  	s29 =	sadd.s32 $0x10, s16;
	(ifvalue) =	ssetifvalue $0x7FFFFFFF  }
0x14: {  	[tilespmem:s29], [sflag:$0x1] =	stream.indirect_vreg.gather [hbm4b:s4+s10], $0x1, v0, vm0, $0x4038;
	[tilespmem:$0x100] =	vst v63  }
0x15: {  	_ =	swait.ge [sflag:s6], $0x40  }
0x16: {  	s30 =	sshrl.u32 s13, $0x3;
	[sflag:s6] =	ssyncset.done $0x0  }
0x17: {  	s31 =	sand.u32 $0x7, s13;
	s15 =	sadd.s32 s2, s30;
	[sflag:s6] =	ssyncadd.s32 $0xFFFFFFC0  }
0x18: {  	[hbm4b:s15+s31] =	stream.linear.scatter [tilespmem:s14], [sflag:$0x3], $0x40, $0x38;
	[tilespmem:$0x100] =	vst v63  }
.LBB2_5:
0x19: {  	s15 =	sadd.s32 $0x800, s11  }
0x1a: {  	p2 =	sgt.s32 s15, $0xFFF  }
0x1b: {  	s15 =	smov.u32 @p2 s3;
	p2 =	sne.s32 s12, s9  }
.Ltmp1:
0x1c: {  	p1 =	slt.u32 s12, $0x2;
	(pc) =	sbr.rel @!p2 .LBB2_6-.Ltmp1, $4  }
0x1d: {  	s14 =	simm.s32 @!p1 $0x3  }
0x1e: {  	s16 =	sadd.s32 $0x1, s12;
	_ =	swait.ge @!p1 [sflag:s14], $0x40  }
0x1f: {  	s13 =	smov.u32 s11;
	p0 =	por !p0, !p0;
	[sflag:s14] =	ssyncset.done @!p1 $0x0  }
0x20: {  	s12 =	smov.u32 s16;
	s11 =	smov.u32 s15;
	[sflag:s14] =	ssyncadd.s32 @!p1 $0xFFFFFFC0  }
.LBB2_1:
0x21: {  	p1 =	sge.u32 s12, s8  }
0x22: {  	s14 =	sxor.u32 @!p1 $0xFFFFFFFF, s12  }
0x23: {  	s31 =	sadd.s32 $0xFFFFFFFF, s12;
	s15 =	sshrl.u32 @!p1 s11, $0x3;
	s14 =	sshll.u32 @!p1 s14, $0x6  }
0x24: {  	s16 =	sand.u32 @!p1 $0x7, s11;
	s15 =	sadd.s32 @!p1 s5, s15;
	s14 =	sand.u32 @!p1 $0x40, s14  }
0x25: {  	[tilespmem:s14], [sflag:$0x2] =	stream.linear.gather @!p1 [hbm4b:s15+s16], $0x40, $0x38;
	[tilespmem:$0x100] =	vst v63  }
0x26: {  	p1 =	sge.u32 s31, s8  }
.Ltmp2:
0x27: {  	_ = 	snop;
	(pc) =	sbr.rel @p1 .LBB2_5-.Ltmp2, $1  }
0x28: {  	_ =	sdelay $0x3  }
0x29: {  	s14 =	simm.s32 $0x1  }
0x2a: {  	_ =	swait.ge [sflag:s7], $0x40;
	s14 =	simm.s32 @!p0 $0x0  }
0x2b: {  	[sflag:s7] =	ssyncset.done $0x0;
	s14 =	sshll.u32 s14, $0x6  }
0x2c: {  	[sflag:s7] =	ssyncadd.s32 $0xFFFFFFC0;
	(ifvalue) =	ssetifvalue $0x7FFFFFFF;
	v0 =	vld.msk [tilespmem:s14+$0x0 ss:$0x1], $0xffff;
	_ =	sdelay $0x4  }
0x2d: {  	s15 =	sadd.s32 $0x10, s14;
	vm1 =	vgt.s32 v0, $0x0  }
0x2e: {  	v2 =	vld.msk [tilespmem:s15+$0x0 ss:$0x1], $0xffff;
	v1 =	vnsel vm1, $0x0, v0  }
0x2f: {  	v1 =	vmin.u32 v1, $0xFFF;
	_ =	sdelay $0x1  }
0x30: {  	s16 =	sshll.u32 s12, $0x6;
	s18 =	simm.s32 $0x20  }
0x31: {  	s16 =	sand.u32 $0x40, s16;
	s17 =	sadd.s32 $0x10, s15;
	s15 =	sor.u32 $0x80, s14  }
0x32: {  	s14 =	sor.u32 $0x80, s16;
	s16 =	sadd.s32 $0x10, s15;
	v0 =	vld.msk [tilespmem:s17+$0x0 ss:$0x1], $0xffff;
	vm1 =	vgt.s32 v2, $0x0;
	(ifvalue) =	ssetifvalue $0x7FFFFFFF  }
.LBB2_3:
0x33: {  	[tilespmem:s15], [sflag:$0x1] =	stream.indirect_vreg.gather [hbm4b:s4+s10], $0x1, v1, vm0, $0x4038;
	[tilespmem:$0x100] =	vst v63  }
0x34: {  	s18 =	sadd.s32 $0x10, s18  }
0x35: {  	v2 =	vnsel vm1, $0x0, v2;
	p1 =	slt.u32 s18, $0x30  }
.Ltmp3:
0x36: {  	s15 =	smov.u32 s16;
	v1 =	vmin.u32 v2, $0xFFF;
	(pc) =	sbr.rel @p1 .LBB2_3-.Ltmp3, $3  }
0x37: {  	_ =	sdelay $0x1  }
0x38: {  	s17 =	sadd.s32 $0x10, s17  }
0x39: {  	vm1 =	vgt.s32 v0, $0x0;
	s16 =	sadd.s32 $0x10, s16;
	v2 =	vmov v0;
	(ifvalue) =	ssetifvalue $0x7FFFFFFF;
	v0 =	vld.msk [tilespmem:s17+$0x0 ss:$0x1], $0xffff  }
.Ltmp4:
0x3a: {  	_ = 	snop;
	(pc) =	sbr.rel .LBB2_4-.Ltmp4, $1  }
0x3b: {  	_ =	sdelay $0x3  }
.LBB2_6:
0x3c: {  	_ =	sfence.sel $0x180000  }
0x3d: {  	s2 =	simm.s32 $0x2;
	[bflag:$0x0] =	sbarrier.arrive $0xFFFF  }
0x3e: {  	s30 =	simm.s32 $0x3;
	[sflag:s2] =	ssyncpa.u1 $0x1  }
0x3f: {  	s31 =	simm.s32 $0x1;
	[sflag:s30] =	ssyncpa.u1 $0x1  }
0x40: {  	[sflag:s31] =	ssyncpa.u1 $0x1  }
0x41: {  	p0 =	sne.s32 s0, $0x0;
	_ =	strace $0x9000004D  }
0x42: {  	s0 =	sadd.s32 @!p0 $0x100000, s1;
	[bflag:$0x2] =	sbarrier.arrive $0xFFFF  }
0x43: {  	[sflag:s0] =	ssyncadd.tile.s32 @!p0 $0x1;
	_ =	shalt  }
.Lfunc_end2:
_tile_overlayer_lowered:
.L_overlay_start_2:
0x44: {  	(tag) =	ssettag $0x2  }
0x45: {  	s0 =	rddreg [dreg:$0x0];
	s2 =	stileid.u32  }
0x46: {  	s1 =	rddreg [dreg:$0x1];
	p0 =	sne.s32 s2, $0x0  }
0x47: {  	s3 =	rddreg [dreg:$0x2];
	[bflag:$0x3] =	sbarrier.arrive $0xFFFF;
	s2 =	simm.s32 @!p0 $0x1C01  }
0x48: {  	[timem:s3], [sflag:s2] =	dma.local @!p0 [hbm:s0], s1  }
0x49: {  	s0 =	simm.s32 @!p0 $0x1  }
0x4a: {  	_ =	swait.ge @!p0 [sflag:s0], s1  }
0x4b: {  	s1 =	ssub.s32 @!p0 $0x0, s1;
	[sflag:s0] =	ssyncset.done @!p0 $0x0  }
0x4c: {  	[sflag:s0] =	ssyncadd.s32 @!p0 s1  }
0x4d: {  	[bflag:$0x3] =	sbarrier.arrive $0xFFFF  }
0x4e: {  	_ =	shalt  }

// kernel: gather_offload_async_start
scs
__scs_entry_jumppad:
0x0: {  	(pc) =	sbr.rel $0x88, $3  }
0x1: {  	(tag) =	ssettag $0x0;
	lr =	simm.s32 $0x1  }
0x2: {  	[smem:$0x3F93] =	sst lr;
	_ =	strace $0xD0000000  }
0x3: {  	_ = 	snop  }
0x4: {  	_ = 	snop  }
0x5: {  	_ = 	snop  }
0x6: {  	_ = 	snop  }
0x7: {  	_ = 	snop  }
__scs_overlays_trampoline_lowered:
0x8: {  	[smem:$0x3FA2] =	sst s0  }
0x9: {  	[smem:$0x3FA3] =	sst s1  }
0xa: {  	[smem:$0x3FA4] =	sst s2  }
0xb: {  	[smem:$0x3FA5] =	sst s3  }
0xc: {  	[smem:$0x3FA6] =	sst s4  }
0xd: {  	[smem:$0x3FA7] =	sst s5  }
0xe: {  	[smem:$0x3FA8] =	sst s6  }
0xf: {  	[smem:$0x3FA9] =	sst s7  }
0x10: {  	[smem:$0x3FAA] =	sst s8  }
0x11: {  	[smem:$0x3FAB] =	sst s9;
	s0 =	simm.s32 @!p0 $0x0  }
0x12: {  	s1 =	sld [smem:$0x3F91];
	s0 =	simm.s32 @p0 $0x1  }
0x13: {  	[smem:$0x3FAC] =	sst s0;
	s0 =	simm.s32 @!p1 $0x0  }
0x14: {  	s2 =	sld [smem:$0x3F90];
	s0 =	simm.s32 @p1 $0x1  }
0x15: {  	[smem:$0x3FAD] =	sst s0;
	s0 =	simm.s32 @!p2 $0x0  }
0x16: {  	s3 =	sld [smem:$0x3FDB];
	s0 =	simm.s32 @p2 $0x1  }
0x17: {  	s4 =	simm.s32 $0x1BF5;
	[smem:$0x3FAF] =	sst s0  }
0x18: {  	s0 =	sld [smem:$0x3F92];
	_ =	swait.ge [sflag:s4], $0x0  }
0x19: {  	s7 =	sld [smem:$0x3F93]  }
0x1a: {  	s8 =	sadd.s32 $0xFFFFE003, lr  }
0x1b: {  	s9 =	sadd.s32 $0xFFFFFEF7, lr;
	s5 =	simm.s32 $0xFFFFFFFF;
	p2 =	slt.u32 s8, $0xFFFFF086  }
0x1c: {  	p1 =	slt.u32 s9, $0xF7A;
	s5 =	simm.s32 @!p2 $0x0  }
0x1d: {  	s5 =	simm.s32 @p1 $0x1;
	p0 =	seq.s32 s7, s2  }
0x1e: {  	s7 =	smul.u32 @!p0 $0xF7A, s2;
	p2 =	seq.s32 @!p0 s5, $0x0  }
0x1f: {  	s9 =	smul.u32 $0xF7A, s1;
	s8 =	simm.s32 @!p0 $0x1BF5;
	p2 =	por !p2, p0  }
0x20: {  	[sflag:s8] =	ssyncset.s32 @!p0 $0xFFFFF086;
	s6 =	sadd.s32 @!p0 s3, s7;
	s7 =	simm.s32 @!p0 $0x108  }
0x21: {  	s3 =	sadd.s32 s3, s9;
	s6 =	sadd.s32 @!p0 $0x88, s6;
	s7 =	simm.s32 @p2 $0x1082  }
0x22: {  	[simem:s7], [sflag:s8] =	dma.local @!p0 [hbm:s6], $0xF7A  }
0x23: {  	s9 =	sor.u32 $0xD0000000, s2;
	s6 =	simm.s32 $0x108;
	_ =	swait.ge @!p0 [sflag:s8], $0x0  }
0x24: {  	s3 =	sadd.s32 $0x88, s3;
	s6 =	simm.s32 @!p1 $0x1082;
	[sflag:s4] =	ssyncset.s32 $0xFFFFF086  }
0x25: {  	[simem:s6], [sflag:s4] =	dma.local [hbm:s3], $0xF7A  }
0x26: {  	[smem:$0x3F93] =	sst s1;
	(tag) =	ssettag s2;
	_ =	strace s9  }
0x27: {  	s1 =	sld [smem:$0x3FA3]  }
0x28: {  	s2 =	sld [smem:$0x3FA4]  }
0x29: {  	s4 =	sld [smem:$0x3FA6]  }
0x2a: {  	p0 =	seq.s32 s5, $0x0;
	s5 =	sld [smem:$0x3FA7]  }
0x2b: {  	s6 =	sld [smem:$0x3FA8]  }
0x2c: {  	s7 =	sld [smem:$0x3FA9]  }
0x2d: {  	s3 =	simm.s32 $0x108;
	s8 =	sld [smem:$0x3FAA]  }
0x2e: {  	s3 =	simm.s32 @!p0 $0x1082;
	s9 =	sld [smem:$0x3FAB]  }
0x2f: {  	lr =	sadd.s32 s0, s3;
	s0 =	sld [smem:$0x3FA2]  }
0x30: {  	s3 =	sld [smem:$0x3FA5]  }
0x31: {  	[smem:$0x3FAE] =	sst s10  }
0x32: {  	s10 =	sld [smem:$0x3FAC];
	_ =	sdelay $0x3  }
0x33: {  	p0 =	seq.s32 s10, $0x1;
	s10 =	sld [smem:$0x3FAE];
	_ =	sdelay $0x3  }
0x34: {  	[smem:$0x3FAE] =	sst s10  }
0x35: {  	s10 =	sld [smem:$0x3FAD];
	_ =	sdelay $0x3  }
0x36: {  	p1 =	seq.s32 s10, $0x1;
	s10 =	sld [smem:$0x3FAE];
	_ =	sdelay $0x3  }
0x37: {  	[smem:$0x3FAE] =	sst s10  }
0x38: {  	s10 =	sld [smem:$0x3FAF]  }
0x39: {  	_ = 	snop;
	(pc) =	sbr.ind lr, $3  }
0x3a: {  	_ = 	snop  }
0x3b: {  	_ = 	snop  }
0x3c: {  	p2 =	seq.s32 s10, $0x1;
	s10 =	sld [smem:$0x3FAE]  }
0x3d: {  	_ =	shalt  }
0x3e: {  	_ =	shalt  }
0x3f: {  	_ =	shalt  }
0x40: {  	_ =	shalt  }
0x41: {  	_ =	shalt  }
0x42: {  	_ =	shalt  }
0x43: {  	_ =	shalt  }
0x44: {  	_ =	shalt  }
0x45: {  	_ =	shalt  }
0x46: {  	_ =	shalt  }
0x47: {  	_ =	shalt  }
0x48: {  	_ =	shalt  }
0x49: {  	_ =	shalt  }
0x4a: {  	_ =	shalt  }
0x4b: {  	_ =	shalt  }
0x4c: {  	_ =	shalt  }
0x4d: {  	_ =	shalt  }
0x4e: {  	_ =	shalt  }
0x4f: {  	_ =	shalt  }
0x50: {  	_ =	shalt  }
0x51: {  	_ =	shalt  }
0x52: {  	_ =	shalt  }
0x53: {  	_ =	shalt  }
0x54: {  	_ =	shalt  }
0x55: {  	_ =	shalt  }
0x56: {  	_ =	shalt  }
0x57: {  	_ =	shalt  }
0x58: {  	_ =	shalt  }
0x59: {  	_ =	shalt  }
0x5a: {  	_ =	shalt  }
0x5b: {  	_ =	shalt  }
0x5c: {  	_ =	shalt  }
0x5d: {  	_ =	shalt  }
0x5e: {  	_ =	shalt  }
0x5f: {  	_ =	shalt  }
0x60: {  	_ =	shalt  }
0x61: {  	_ =	shalt  }
0x62: {  	_ =	shalt  }
0x63: {  	_ =	shalt  }
0x64: {  	_ =	shalt  }
0x65: {  	_ =	shalt  }
0x66: {  	_ =	shalt  }
0x67: {  	_ =	shalt  }
0x68: {  	_ =	shalt  }
0x69: {  	_ =	shalt  }
0x6a: {  	_ =	shalt  }
0x6b: {  	_ =	shalt  }
0x6c: {  	_ =	shalt  }
0x6d: {  	_ =	shalt  }
0x6e: {  	_ =	shalt  }
0x6f: {  	_ =	shalt  }
0x70: {  	_ =	shalt  }
0x71: {  	_ =	shalt  }
0x72: {  	_ =	shalt  }
0x73: {  	_ =	shalt  }
0x74: {  	_ =	shalt  }
0x75: {  	_ =	shalt  }
0x76: {  	_ =	shalt  }
0x77: {  	_ =	shalt  }
0x78: {  	_ =	shalt  }
0x79: {  	_ =	shalt  }
0x7a: {  	_ =	shalt  }
0x7b: {  	_ =	shalt  }
0x7c: {  	_ =	shalt  }
0x7d: {  	_ =	shalt  }
0x7e: {  	_ =	shalt  }
0x7f: {  	_ =	shalt  }
0x80: {  	_ =	shalt  }
0x81: {  	_ =	shalt  }
0x82: {  	_ =	shalt  }
0x83: {  	_ =	shalt  }
0x84: {  	_ =	shalt  }
0x85: {  	_ =	shalt  }
0x86: {  	_ =	shalt  }
0x87: {  	_ =	shalt  }
.Lfunc_end0:
.L_simem_size_0:
called_computation.1_lowered:
.L_overlay_start_0:
0x88: {  	s2 =	sld [smem:$0x3FD9]  }
0x89: {  	s3 =	sld [smem:$0x3FFE];
	_ =	sdelay $0x1  }
0x8a: {  	s1 =	srdreg.scid  }
0x8b: {  	s0 =	sand.u32 $0x1, s1  }
0x8c: {  	s17 =	sshll.u32 s0, $0xA;
	s2 =	sadd.s32 s3, s2  }
0x8d: {  	s2 =	sadd.s32 s2, s17  }
0x8e: {  	[smem:$0x3FBA] =	sst s2  }
0x8f: {  	_ = 	snop  }
0x90: {  	s2 =	sld [smem:$0x3FD0];
	(tm) =	ssettm $0x1  }
0x91: {  	s18 =	sld [smem:$0x3FFB];
	_ =	sdelay $0x3  }
0x92: {  	_ =	strace s18  }
0x93: {  	s3 =	sld [smem:$0x3FFC];
	_ =	sdelay $0x3  }
0x94: {  	_ =	strace s3  }
0x95: {  	s3 =	sld [smem:$0x3FFD];
	_ =	sdelay $0x3  }
0x96: {  	_ =	strace s3  }
0x97: {  	_ =	strace $0x8FFFFFFF  }
0x98: {  	s19 =	sld [smem:$0x3FDB];
	_ =	sdelay $0x1  }
0x99: {  	s4 =	simm.s32 $_scs_section_size  }
0x9a: {  	s5 =	simm.s32 $_size__tile_overlayer_lowered;
	s6 =	simm.s32 $_tile_overlayer_lowered  }
0x9b: {  	s22 =	simm.s32 $0x1BFF;
	s21 =	sshll.u32 s6, $0x1;
	s3 =	sadd.s32 s4, s19  }
0x9c: {  	s7 =	simm.s32 $0x0;
	s20 =	sshll.u32 s5, $0x1;
	s5 =	sadd.s32 s21, s3  }
0x9d: {  	[timem:s7], [sflag:s22] =	dma.local [hbm:s5], s20  }
0x9e: {  	_ =	swait.ge [sflag:s22], s20  }
0x9f: {  	s4 =	ssub.s32 $0x0, s20;
	[sflag:s22] =	ssyncset.done $0x0  }
0xa0: {  	[sflag:s22] =	ssyncadd.s32 s4;
	_ =	sdelay $0x1  }
0xa1: {  	s23 =	simm.s32 $0x1B8B  }
0xa2: {  	_ =	swait.ge [sflag:s23], $0x1  }
0xa3: {  	[sflag:s23] =	ssyncset.done $0x0  }
0xa4: {  	s25 =	simm.s32 $0x1B8E;
	s24 =	sld [smem:$0x3FFE];
	[sflag:s23] =	ssyncadd.s32 $0xFFFFFFFF  }
0xa5: {  	s26 =	simm.s32 $execute0_lowered;
	[smem:$0x3FD2] =	sst s25  }
0xa6: {  	s5 =	sshll.u32 s26, $0x1;
	_ =	strace $0x80000049;
	[dreg:$0x1] =	wrdreg $0xFFFFFFFF  }
0xa7: {  	s28 =	simm.s32 $_size_execute0_lowered;
	s3 =	sadd.s32 s3, s5;
	[dreg:$0x0] =	wrdreg $0x0  }
0xa8: {  	s5 =	sshll.u32 s28, $0x1;
	[dreg:$0x2] =	wrdreg s3  }
0xa9: {  	[dreg:$0x3] =	wrdreg s5  }
0xaa: {  	[dreg:$0x4] =	wrdreg $0xC0  }
0xab: {  	_ =	task [dreg:s7], $0x5FFFF  }
0xac: {  	[dreg:$0x1] =	wrdreg $0xFFFFFFFF  }
0xad: {  	[dreg:$0x0] =	wrdreg $0x60  }
0xae: {  	[dreg:$0x2] =	wrdreg s24  }
0xaf: {  	[dreg:$0x3] =	wrdreg s2  }
0xb0: {  	[dreg:$0x4] =	wrdreg $0x9  }
0xb1: {  	_ =	task.clear_ibuf [dreg:s7], $0x5FFFF;
	_ =	strace $0x90000049  }
0xb2: {  	s29 =	simm.s32 $0x9;
	_ =	strace $0x8000004B  }
0xb3: {  	_ =	swait.ge [sflag:s29], $0x1  }
0xb4: {  	[sflag:s29] =	ssyncadd.s32 $0xFFFFFFFF  }
0xb5: {  	_ =	strace $0x9000004B  }
0xb6: {  	_ =	sfence  }
0xb7: {  	s30 =	sld [smem:$0x0];
	_ =	sdelay $0x2  }
0xb8: {  	s31 =	sshll.u32 s1, $0xD;
	s1 =	sshrl.u32 s1, $0x2  }
0xb9: {  	s3 =	sand.u32 $0x4000, s31;
	s1 =	sadd.s32 s1, s30  }
0xba: {  	s0 =	sor.u32 s3, s0;
	s1 =	sshll.u32 s1, $0x11  }
0xbb: {  	s0 =	sor.u32 s1, s0  }
0xbc: {  	s0 =	sadd.s32 $0x8F2B, s0  }
0xbd: {  	[sflag:s0] =	ssyncadd.remote.s32 $0x1  }
0xbe: {  	_ =	sfence.sel $0xFFFF  }
0xbf: {  	[dreg:$0x0] =	wrdreg $0xFFFFFFFF;
	(pc) =	sbr.abs _section_cstart, $3  }
0xc0: {  	[dreg:$0x1] =	wrdreg $0xFFFFFFFF  }
0xc1: {  	_ =	task.clear_ibuf [dreg:s7], $0x2FFFF;
	_ =	strace $0x9FFFFFFF  }
0xc2: {  	(tm) =	ssettm $0x7FFFFFFF  }
0xc3: {  	_ =	shalt  }
tec
execute0_lowered:
.L_overlay_start_1:
0x0: {  	(tag) =	ssettag $0x1  }
0x1: {  	s1 =	srdreg.scid;
	s2 =	rddreg [dreg:$0x0]  }
0x2: {  	s0 =	stileid.u32;
	s3 =	rddreg [dreg:$0x1]  }
0x3: {  	s6 =	simm.s32 $0x1;
	s9 =	simm.s32 $0x1;
	s1 =	sshll.u32 s1, $0x6  }
0x4: {  	s10 =	simm.s32 $0x3;
	s4 =	sshll.u32 s0, $0x7;
	s5 =	sand.u32 $0x40, s1  }
0x5: {  	s13 =	simm.s32 $0x0;
	s12 =	simm.s32 $0x0;
	s4 =	sor.u32 s4, s5  }
0x6: {  	s1 =	rddreg [dreg:$0x2];
	_ =	strace $0x8000004A;
	s8 =	ssub.s32 $0x1000, s4  }
.Ltmp0:
0x7: {  	s5 =	sadd.s32 $0x400, s2;
	s7 =	sand.u32 $0x7C0, s8;
	(pc) =	sbr.rel .LBB2_1-.Ltmp0, $4  }
0x8: {  	[sflag:s6] =	ssyncpa.u1 $0x0;
	s11 =	smov.u32 s4;
	p0 =	sne.s32 s7, $0x0  }
0x9: {  	s8 =	sshrl.u32 s8, $0xB;
	s7 =	simm.s32 $0x2;
	s9 =	simm.s32 @!p0 $0x0  }
0xa: {  	[sflag:s7] =	ssyncpa.u1 $0x0;
	p0 =	por $0x0, $0x0;
	s8 =	sadd.s32 s9, s8  }
0xb: {  	vm0 =	vmmov $0xffff;
	[sflag:s10] =	ssyncpa.u1 $0x0;
	s10 =	simm.s32 $0x0;
	s9 =	sadd.s32 $0x1, s8  }
.LBB2_4:
0xc: {  	v2 =	vnsel vm1, $0x0, v2  }
0xd: {  	vm1 =	vgt.s32 v0, $0x0;
	v2 =	vmin.u32 v2, $0xFFF  }
0xe: {  	v0 =	vnsel vm1, $0x0, v0  }
0xf: {  	v0 =	vmin.u32 v0, $0xFFF  }
0x10: {  	[tilespmem:s15], [sflag:$0x1] =	stream.indirect_vreg.gather [hbm4b:s2+s10], $0x1, v1, vm0, $0x4038;
	[tilespmem:$0x100] =	vst v63  }
0x11: {  	(ifvalue) =	ssetifvalue $0x7FFFFFFF  }
0x12: {  	[tilespmem:s16], [sflag:$0x1] =	stream.indirect_vreg.gather [hbm4b:s2+s10], $0x1, v2, vm0, $0x4038;
	[tilespmem:$0x100] =	vst v63  }
0x13: {  	s29 =	sadd.s32 $0x10, s16;
	(ifvalue) =	ssetifvalue $0x7FFFFFFF  }
0x14: {  	[tilespmem:s29], [sflag:$0x1] =	stream.indirect_vreg.gather [hbm4b:s2+s10], $0x1, v0, vm0, $0x4038;
	[tilespmem:$0x100] =	vst v63  }
0x15: {  	_ =	swait.ge [sflag:s6], $0x40  }
0x16: {  	s30 =	sshrl.u32 s13, $0x3;
	[sflag:s6] =	ssyncset.done $0x0  }
0x17: {  	s31 =	sand.u32 $0x7, s13;
	s15 =	sadd.s32 s3, s30;
	[sflag:s6] =	ssyncadd.s32 $0xFFFFFFC0  }
0x18: {  	[hbm4b:s15+s31] =	stream.linear.scatter [tilespmem:s14], [sflag:$0x3], $0x40, $0x38;
	[tilespmem:$0x100] =	vst v63  }
.LBB2_5:
0x19: {  	s15 =	sadd.s32 $0x800, s11  }
0x1a: {  	p2 =	sgt.s32 s15, $0xFFF  }
0x1b: {  	s15 =	smov.u32 @p2 s4;
	p2 =	sne.s32 s12, s9  }
.Ltmp1:
0x1c: {  	p1 =	slt.u32 s12, $0x2;
	(pc) =	sbr.rel @!p2 .LBB2_6-.Ltmp1, $4  }
0x1d: {  	s14 =	simm.s32 @!p1 $0x3  }
0x1e: {  	s16 =	sadd.s32 $0x1, s12;
	_ =	swait.ge @!p1 [sflag:s14], $0x40  }
0x1f: {  	s13 =	smov.u32 s11;
	p0 =	por !p0, !p0;
	[sflag:s14] =	ssyncset.done @!p1 $0x0  }
0x20: {  	s12 =	smov.u32 s16;
	s11 =	smov.u32 s15;
	[sflag:s14] =	ssyncadd.s32 @!p1 $0xFFFFFFC0  }
.LBB2_1:
0x21: {  	p1 =	sge.u32 s12, s8  }
0x22: {  	s14 =	sxor.u32 @!p1 $0xFFFFFFFF, s12  }
0x23: {  	s31 =	sadd.s32 $0xFFFFFFFF, s12;
	s15 =	sshrl.u32 @!p1 s11, $0x3;
	s14 =	sshll.u32 @!p1 s14, $0x6  }
0x24: {  	s16 =	sand.u32 @!p1 $0x7, s11;
	s15 =	sadd.s32 @!p1 s5, s15;
	s14 =	sand.u32 @!p1 $0x40, s14  }
0x25: {  	[tilespmem:s14], [sflag:$0x2] =	stream.linear.gather @!p1 [hbm4b:s15+s16], $0x40, $0x38;
	[tilespmem:$0x100] =	vst v63  }
0x26: {  	p1 =	sge.u32 s31, s8  }
.Ltmp2:
0x27: {  	_ = 	snop;
	(pc) =	sbr.rel @p1 .LBB2_5-.Ltmp2, $1  }
0x28: {  	_ =	sdelay $0x3  }
0x29: {  	s14 =	simm.s32 $0x1  }
0x2a: {  	_ =	swait.ge [sflag:s7], $0x40;
	s14 =	simm.s32 @!p0 $0x0  }
0x2b: {  	[sflag:s7] =	ssyncset.done $0x0;
	s14 =	sshll.u32 s14, $0x6  }
0x2c: {  	[sflag:s7] =	ssyncadd.s32 $0xFFFFFFC0;
	(ifvalue) =	ssetifvalue $0x7FFFFFFF;
	v0 =	vld.msk [tilespmem:s14+$0x0 ss:$0x1], $0xffff;
	_ =	sdelay $0x4  }
0x2d: {  	s15 =	sadd.s32 $0x10, s14;
	vm1 =	vgt.s32 v0, $0x0  }
0x2e: {  	v2 =	vld.msk [tilespmem:s15+$0x0 ss:$0x1], $0xffff;
	v1 =	vnsel vm1, $0x0, v0  }
0x2f: {  	v1 =	vmin.u32 v1, $0xFFF;
	_ =	sdelay $0x1  }
0x30: {  	s16 =	sshll.u32 s12, $0x6;
	s18 =	simm.s32 $0x20  }
0x31: {  	s16 =	sand.u32 $0x40, s16;
	s17 =	sadd.s32 $0x10, s15;
	s15 =	sor.u32 $0x80, s14  }
0x32: {  	s14 =	sor.u32 $0x80, s16;
	s16 =	sadd.s32 $0x10, s15;
	v0 =	vld.msk [tilespmem:s17+$0x0 ss:$0x1], $0xffff;
	vm1 =	vgt.s32 v2, $0x0;
	(ifvalue) =	ssetifvalue $0x7FFFFFFF  }
.LBB2_3:
0x33: {  	[tilespmem:s15], [sflag:$0x1] =	stream.indirect_vreg.gather [hbm4b:s2+s10], $0x1, v1, vm0, $0x4038;
	[tilespmem:$0x100] =	vst v63  }
0x34: {  	s18 =	sadd.s32 $0x10, s18  }
0x35: {  	v2 =	vnsel vm1, $0x0, v2;
	p1 =	slt.u32 s18, $0x30  }
.Ltmp3:
0x36: {  	s15 =	smov.u32 s16;
	v1 =	vmin.u32 v2, $0xFFF;
	(pc) =	sbr.rel @p1 .LBB2_3-.Ltmp3, $3  }
0x37: {  	_ =	sdelay $0x1  }
0x38: {  	s17 =	sadd.s32 $0x10, s17  }
0x39: {  	vm1 =	vgt.s32 v0, $0x0;
	s16 =	sadd.s32 $0x10, s16;
	v2 =	vmov v0;
	(ifvalue) =	ssetifvalue $0x7FFFFFFF;
	v0 =	vld.msk [tilespmem:s17+$0x0 ss:$0x1], $0xffff  }
.Ltmp4:
0x3a: {  	_ = 	snop;
	(pc) =	sbr.rel .LBB2_4-.Ltmp4, $1  }
0x3b: {  	_ =	sdelay $0x3  }
.LBB2_6:
0x3c: {  	_ =	sfence.sel $0x180000  }
0x3d: {  	s2 =	simm.s32 $0x2;
	[bflag:$0x0] =	sbarrier.arrive $0xFFFF  }
0x3e: {  	s30 =	simm.s32 $0x3;
	[sflag:s2] =	ssyncpa.u1 $0x1  }
0x3f: {  	s31 =	simm.s32 $0x1;
	[sflag:s30] =	ssyncpa.u1 $0x1  }
0x40: {  	[sflag:s31] =	ssyncpa.u1 $0x1  }
0x41: {  	p0 =	sne.s32 s0, $0x0;
	_ =	strace $0x9000004A  }
0x42: {  	s0 =	sadd.s32 @!p0 $0x100000, s1;
	[bflag:$0x2] =	sbarrier.arrive $0xFFFF  }
0x43: {  	[sflag:s0] =	ssyncadd.tile.s32 @!p0 $0x1;
	_ =	shalt  }
.Lfunc_end2:
_tile_overlayer_lowered:
.L_overlay_start_2:
0x44: {  	(tag) =	ssettag $0x2  }
0x45: {  	s0 =	rddreg [dreg:$0x0];
	s2 =	stileid.u32  }
0x46: {  	s1 =	rddreg [dreg:$0x1];
	p0 =	sne.s32 s2, $0x0  }
0x47: {  	s3 =	rddreg [dreg:$0x2];
	[bflag:$0x3] =	sbarrier.arrive $0xFFFF;
	s2 =	simm.s32 @!p0 $0x1C01  }
0x48: {  	[timem:s3], [sflag:s2] =	dma.local @!p0 [hbm:s0], s1  }
0x49: {  	s0 =	simm.s32 @!p0 $0x1  }
0x4a: {  	_ =	swait.ge @!p0 [sflag:s0], s1  }
0x4b: {  	s1 =	ssub.s32 @!p0 $0x0, s1;
	[sflag:s0] =	ssyncset.done @!p0 $0x0  }
0x4c: {  	[sflag:s0] =	ssyncadd.s32 @!p0 s1  }
0x4d: {  	[bflag:$0x3] =	sbarrier.arrive $0xFFFF  }
0x4e: {  	_ =	shalt  }

// kernel: scatter_offload_async_start
scs
__scs_entry_jumppad:
0x0: {  	(pc) =	sbr.rel $0x88, $3  }
0x1: {  	(tag) =	ssettag $0x0;
	lr =	simm.s32 $0x1  }
0x2: {  	[smem:$0x3F93] =	sst lr;
	_ =	strace $0xD0000000  }
0x3: {  	_ = 	snop  }
0x4: {  	_ = 	snop  }
0x5: {  	_ = 	snop  }
0x6: {  	_ = 	snop  }
0x7: {  	_ = 	snop  }
__scs_overlays_trampoline_lowered:
0x8: {  	[smem:$0x3FA2] =	sst s0  }
0x9: {  	[smem:$0x3FA3] =	sst s1  }
0xa: {  	[smem:$0x3FA4] =	sst s2  }
0xb: {  	[smem:$0x3FA5] =	sst s3  }
0xc: {  	[smem:$0x3FA6] =	sst s4  }
0xd: {  	[smem:$0x3FA7] =	sst s5  }
0xe: {  	[smem:$0x3FA8] =	sst s6  }
0xf: {  	[smem:$0x3FA9] =	sst s7  }
0x10: {  	[smem:$0x3FAA] =	sst s8  }
0x11: {  	[smem:$0x3FAB] =	sst s9;
	s0 =	simm.s32 @!p0 $0x0  }
0x12: {  	s1 =	sld [smem:$0x3F91];
	s0 =	simm.s32 @p0 $0x1  }
0x13: {  	[smem:$0x3FAC] =	sst s0;
	s0 =	simm.s32 @!p1 $0x0  }
0x14: {  	s2 =	sld [smem:$0x3F90];
	s0 =	simm.s32 @p1 $0x1  }
0x15: {  	[smem:$0x3FAD] =	sst s0;
	s0 =	simm.s32 @!p2 $0x0  }
0x16: {  	s3 =	sld [smem:$0x3FDB];
	s0 =	simm.s32 @p2 $0x1  }
0x17: {  	s4 =	simm.s32 $0x1BF5;
	[smem:$0x3FAF] =	sst s0  }
0x18: {  	s0 =	sld [smem:$0x3F92];
	_ =	swait.ge [sflag:s4], $0x0  }
0x19: {  	s7 =	sld [smem:$0x3F93]  }
0x1a: {  	s8 =	sadd.s32 $0xFFFFE003, lr  }
0x1b: {  	s9 =	sadd.s32 $0xFFFFFEF7, lr;
	s5 =	simm.s32 $0xFFFFFFFF;
	p2 =	slt.u32 s8, $0xFFFFF086  }
0x1c: {  	p1 =	slt.u32 s9, $0xF7A;
	s5 =	simm.s32 @!p2 $0x0  }
0x1d: {  	s5 =	simm.s32 @p1 $0x1;
	p0 =	seq.s32 s7, s2  }
0x1e: {  	s7 =	smul.u32 @!p0 $0xF7A, s2;
	p2 =	seq.s32 @!p0 s5, $0x0  }
0x1f: {  	s9 =	smul.u32 $0xF7A, s1;
	s8 =	simm.s32 @!p0 $0x1BF5;
	p2 =	por !p2, p0  }
0x20: {  	[sflag:s8] =	ssyncset.s32 @!p0 $0xFFFFF086;
	s6 =	sadd.s32 @!p0 s3, s7;
	s7 =	simm.s32 @!p0 $0x108  }
0x21: {  	s3 =	sadd.s32 s3, s9;
	s6 =	sadd.s32 @!p0 $0x88, s6;
	s7 =	simm.s32 @p2 $0x1082  }
0x22: {  	[simem:s7], [sflag:s8] =	dma.local @!p0 [hbm:s6], $0xF7A  }
0x23: {  	s9 =	sor.u32 $0xD0000000, s2;
	s6 =	simm.s32 $0x108;
	_ =	swait.ge @!p0 [sflag:s8], $0x0  }
0x24: {  	s3 =	sadd.s32 $0x88, s3;
	s6 =	simm.s32 @!p1 $0x1082;
	[sflag:s4] =	ssyncset.s32 $0xFFFFF086  }
0x25: {  	[simem:s6], [sflag:s4] =	dma.local [hbm:s3], $0xF7A  }
0x26: {  	[smem:$0x3F93] =	sst s1;
	(tag) =	ssettag s2;
	_ =	strace s9  }
0x27: {  	s1 =	sld [smem:$0x3FA3]  }
0x28: {  	s2 =	sld [smem:$0x3FA4]  }
0x29: {  	s4 =	sld [smem:$0x3FA6]  }
0x2a: {  	p0 =	seq.s32 s5, $0x0;
	s5 =	sld [smem:$0x3FA7]  }
0x2b: {  	s6 =	sld [smem:$0x3FA8]  }
0x2c: {  	s7 =	sld [smem:$0x3FA9]  }
0x2d: {  	s3 =	simm.s32 $0x108;
	s8 =	sld [smem:$0x3FAA]  }
0x2e: {  	s3 =	simm.s32 @!p0 $0x1082;
	s9 =	sld [smem:$0x3FAB]  }
0x2f: {  	lr =	sadd.s32 s0, s3;
	s0 =	sld [smem:$0x3FA2]  }
0x30: {  	s3 =	sld [smem:$0x3FA5]  }
0x31: {  	[smem:$0x3FAE] =	sst s10  }
0x32: {  	s10 =	sld [smem:$0x3FAC];
	_ =	sdelay $0x3  }
0x33: {  	p0 =	seq.s32 s10, $0x1;
	s10 =	sld [smem:$0x3FAE];
	_ =	sdelay $0x3  }
0x34: {  	[smem:$0x3FAE] =	sst s10  }
0x35: {  	s10 =	sld [smem:$0x3FAD];
	_ =	sdelay $0x3  }
0x36: {  	p1 =	seq.s32 s10, $0x1;
	s10 =	sld [smem:$0x3FAE];
	_ =	sdelay $0x3  }
0x37: {  	[smem:$0x3FAE] =	sst s10  }
0x38: {  	s10 =	sld [smem:$0x3FAF]  }
0x39: {  	_ = 	snop;
	(pc) =	sbr.ind lr, $3  }
0x3a: {  	_ = 	snop  }
0x3b: {  	_ = 	snop  }
0x3c: {  	p2 =	seq.s32 s10, $0x1;
	s10 =	sld [smem:$0x3FAE]  }
0x3d: {  	_ =	shalt  }
0x3e: {  	_ =	shalt  }
0x3f: {  	_ =	shalt  }
0x40: {  	_ =	shalt  }
0x41: {  	_ =	shalt  }
0x42: {  	_ =	shalt  }
0x43: {  	_ =	shalt  }
0x44: {  	_ =	shalt  }
0x45: {  	_ =	shalt  }
0x46: {  	_ =	shalt  }
0x47: {  	_ =	shalt  }
0x48: {  	_ =	shalt  }
0x49: {  	_ =	shalt  }
0x4a: {  	_ =	shalt  }
0x4b: {  	_ =	shalt  }
0x4c: {  	_ =	shalt  }
0x4d: {  	_ =	shalt  }
0x4e: {  	_ =	shalt  }
0x4f: {  	_ =	shalt  }
0x50: {  	_ =	shalt  }
0x51: {  	_ =	shalt  }
0x52: {  	_ =	shalt  }
0x53: {  	_ =	shalt  }
0x54: {  	_ =	shalt  }
0x55: {  	_ =	shalt  }
0x56: {  	_ =	shalt  }
0x57: {  	_ =	shalt  }
0x58: {  	_ =	shalt  }
0x59: {  	_ =	shalt  }
0x5a: {  	_ =	shalt  }
0x5b: {  	_ =	shalt  }
0x5c: {  	_ =	shalt  }
0x5d: {  	_ =	shalt  }
0x5e: {  	_ =	shalt  }
0x5f: {  	_ =	shalt  }
0x60: {  	_ =	shalt  }
0x61: {  	_ =	shalt  }
0x62: {  	_ =	shalt  }
0x63: {  	_ =	shalt  }
0x64: {  	_ =	shalt  }
0x65: {  	_ =	shalt  }
0x66: {  	_ =	shalt  }
0x67: {  	_ =	shalt  }
0x68: {  	_ =	shalt  }
0x69: {  	_ =	shalt  }
0x6a: {  	_ =	shalt  }
0x6b: {  	_ =	shalt  }
0x6c: {  	_ =	shalt  }
0x6d: {  	_ =	shalt  }
0x6e: {  	_ =	shalt  }
0x6f: {  	_ =	shalt  }
0x70: {  	_ =	shalt  }
0x71: {  	_ =	shalt  }
0x72: {  	_ =	shalt  }
0x73: {  	_ =	shalt  }
0x74: {  	_ =	shalt  }
0x75: {  	_ =	shalt  }
0x76: {  	_ =	shalt  }
0x77: {  	_ =	shalt  }
0x78: {  	_ =	shalt  }
0x79: {  	_ =	shalt  }
0x7a: {  	_ =	shalt  }
0x7b: {  	_ =	shalt  }
0x7c: {  	_ =	shalt  }
0x7d: {  	_ =	shalt  }
0x7e: {  	_ =	shalt  }
0x7f: {  	_ =	shalt  }
0x80: {  	_ =	shalt  }
0x81: {  	_ =	shalt  }
0x82: {  	_ =	shalt  }
0x83: {  	_ =	shalt  }
0x84: {  	_ =	shalt  }
0x85: {  	_ =	shalt  }
0x86: {  	_ =	shalt  }
0x87: {  	_ =	shalt  }
.Lfunc_end0:
.L_simem_size_0:
called_computation_lowered:
.L_overlay_start_0:
0x88: {  	s0 =	sld [smem:$0x3FD9]  }
0x89: {  	s1 =	sld [smem:$0x3FFE];
	_ =	sdelay $0x3  }
0x8a: {  	s0 =	sadd.s32 s1, s0  }
0x8b: {  	[smem:$0x3FBA] =	sst s0  }
0x8c: {  	_ = 	snop  }
0x8d: {  	s0 =	sld [smem:$0x3FD0];
	(tm) =	ssettm $0x1  }
0x8e: {  	s16 =	sld [smem:$0x3FFB];
	_ =	sdelay $0x3  }
0x8f: {  	_ =	strace s16  }
0x90: {  	s1 =	sld [smem:$0x3FFC];
	_ =	sdelay $0x3  }
0x91: {  	_ =	strace s1  }
0x92: {  	s1 =	sld [smem:$0x3FFD];
	_ =	sdelay $0x3  }
0x93: {  	_ =	strace s1  }
0x94: {  	_ =	strace $0x8FFFFFFF  }
0x95: {  	s17 =	sld [smem:$0x3FDB];
	_ =	sdelay $0x1  }
0x96: {  	s2 =	simm.s32 $_scs_section_size  }
0x97: {  	s3 =	simm.s32 $_size__tile_overlayer_lowered;
	s4 =	simm.s32 $_tile_overlayer_lowered  }
0x98: {  	s20 =	simm.s32 $0x1BFF;
	s19 =	sshll.u32 s4, $0x1;
	s1 =	sadd.s32 s2, s17  }
0x99: {  	s5 =	simm.s32 $0x0;
	s18 =	sshll.u32 s3, $0x1;
	s3 =	sadd.s32 s19, s1  }
0x9a: {  	[timem:s5], [sflag:s20] =	dma.local [hbm:s3], s18  }
0x9b: {  	_ =	swait.ge [sflag:s20], s18  }
0x9c: {  	s2 =	ssub.s32 $0x0, s18;
	[sflag:s20] =	ssyncset.done $0x0  }
0x9d: {  	[sflag:s20] =	ssyncadd.s32 s2;
	_ =	sdelay $0x1  }
0x9e: {  	s21 =	simm.s32 $0x1B8B  }
0x9f: {  	_ =	swait.ge [sflag:s21], $0x1  }
0xa0: {  	[sflag:s21] =	ssyncset.done $0x0  }
0xa1: {  	s23 =	simm.s32 $0x1B8E;
	s22 =	sld [smem:$0x3FFE];
	[sflag:s21] =	ssyncadd.s32 $0xFFFFFFFF  }
0xa2: {  	s24 =	simm.s32 $execute0_lowered;
	[smem:$0x3FD2] =	sst s23  }
0xa3: {  	s3 =	sshll.u32 s24, $0x1;
	_ =	strace $0x80000046;
	[dreg:$0x1] =	wrdreg $0xFFFFFFFF  }
0xa4: {  	s25 =	simm.s32 $_size_execute0_lowered;
	s1 =	sadd.s32 s1, s3;
	[dreg:$0x0] =	wrdreg $0x0  }
0xa5: {  	s3 =	sshll.u32 s25, $0x1;
	[dreg:$0x2] =	wrdreg s1  }
0xa6: {  	[dreg:$0x3] =	wrdreg s3  }
0xa7: {  	[dreg:$0x4] =	wrdreg $0xC0  }
0xa8: {  	_ =	task [dreg:s5], $0x5FFFF  }
0xa9: {  	[dreg:$0x1] =	wrdreg $0xFFFFFFFF  }
0xaa: {  	[dreg:$0x0] =	wrdreg $0x60  }
0xab: {  	[dreg:$0x2] =	wrdreg s22  }
0xac: {  	[dreg:$0x3] =	wrdreg s0  }
0xad: {  	[dreg:$0x4] =	wrdreg $0x9  }
0xae: {  	_ =	task.clear_ibuf [dreg:s5], $0x5FFFF;
	_ =	strace $0x90000046  }
0xaf: {  	s26 =	simm.s32 $0x9;
	_ =	strace $0x80000048  }
0xb0: {  	_ =	swait.ge [sflag:s26], $0x1  }
0xb1: {  	[sflag:s26] =	ssyncadd.s32 $0xFFFFFFFF  }
0xb2: {  	_ =	strace $0x90000048  }
0xb3: {  	_ =	sfence  }
0xb4: {  	s28 =	sld [smem:$0x0];
	_ =	sdelay $0x1  }
0xb5: {  	s29 =	srdreg.scid  }
0xb6: {  	s30 =	sshll.u32 s29, $0xD;
	s31 =	sshrl.u32 s29, $0x2  }
0xb7: {  	s2 =	sand.u32 $0x4000, s30;
	s1 =	sand.u32 $0x1, s29;
	s0 =	sadd.s32 s31, s28  }
0xb8: {  	s1 =	sor.u32 s2, s1;
	s0 =	sshll.u32 s0, $0x11  }
0xb9: {  	s0 =	sor.u32 s0, s1  }
0xba: {  	s0 =	sadd.s32 $0x8F2B, s0  }
0xbb: {  	[sflag:s0] =	ssyncadd.remote.s32 $0x1  }
0xbc: {  	_ =	sfence.sel $0xFFFF  }
0xbd: {  	[dreg:$0x0] =	wrdreg $0xFFFFFFFF;
	(pc) =	sbr.abs _section_cstart, $3  }
0xbe: {  	[dreg:$0x1] =	wrdreg $0xFFFFFFFF  }
0xbf: {  	_ =	task.clear_ibuf [dreg:s5], $0x2FFFF;
	_ =	strace $0x9FFFFFFF  }
0xc0: {  	(tm) =	ssettm $0x7FFFFFFF  }
0xc1: {  	_ =	shalt  }
tec
execute0_lowered:
.L_overlay_start_1:
0x0: {  	(tag) =	ssettag $0x1  }
0x1: {  	s5 =	rddreg [dreg:$0x0]  }
0x2: {  	s6 =	rddreg [dreg:$0x1]  }
0x3: {  	s0 =	rddreg [dreg:$0x2];
	_ =	strace $0x80000047;
	s7 =	stileid.u32  }
0x4: {  	s3 =	simm.s32 $0x3E;
	s1 =	sadd.s32 $0x120600, s5;
	p0 =	sne.s32 s7, $0x0  }
0x5: {  	[sflag:s3] =	ssyncpa.u1 $0x0;
	s4 =	simm.s32 @!p0 $0x1C3E;
	s2 =	simm.s32 @!p0 $0x0  }
0x6: {  	[spmem:s2], [sflag:s4] =	dma.local @!p0 [hbm:s1], $0x10  }
0x7: {  	s4 =	simm.s32 @!p0 $0x3E  }
0x8: {  	_ =	swait.ge @!p0 [sflag:s4], $0x10  }
0x9: {  	[sflag:s4] =	ssyncset.done @!p0 $0x0  }
0xa: {  	[sflag:s4] =	ssyncadd.s32 @!p0 $0xFFFFFFF0  }
0xb: {  	s9 =	simm.s32 $0x108;
	s8 =	sadd.s32 $0x120800, s5;
	[bflag:$0x0] =	sbarrier.arrive $0xFFFF  }
0xc: {  	s7 =	sshll.u32 s7, $0x5;
	[sflag:s3] =	ssyncpa.u1 $0x1;
	s3 =	simm.s32 $0x1  }
0xd: {  	s5 =	simm.s32 $0x0;
	s4 =	simm.s32 $0x2;
	[sflag:s3] =	ssyncpa.u1 $0x0  }
0xe: {  	s6 =	sadd.s32 s6, s7;
	(ifvalue) =	ssetifvalue $0x80;
	[sflag:s4] =	ssyncpa.u1 $0x0  }
0xf: {  	[tilespmem:s9], [sflag:$0x2] =	stream.linear.gather [hbm4b:s6+s5], $0x100, $0x38;
	[tilespmem:$0x408] =	vst v63  }
0x10: {  	s23 =	simm.s32 $0x308;
	s22 =	sadd.s32 s8, s7  }
0x11: {  	[tilespmem:s23], [sflag:$0x2] =	stream.linear.gather [hbm4b:s22+s5], $0x100, $0x38;
	[tilespmem:$0x408] =	vst v63  }
0x12: {  	_ =	swait.ge [sflag:s4], $0x200  }
0x13: {  	[sflag:s4] =	ssyncset.done $0x0  }
0x14: {  	[sflag:s4] =	ssyncadd.s32 $0xFFFFFE00  }
0x15: {  	v0 =	vld.msk [tilespmem:s9+$0x0 ss:$0x1], $0xffff;
	_ =	sdelay $0x4  }
0x16: {  	v0 =	vmin.u32 v0, $0x80;
	_ =	sdelay $0x3  }
0x17: {  	vm0 =	vmmov $0xffff;
	s24 =	simm.s32 $0x118  }
0x18: {  	[spmem:s5] =	stream.indirect_vreg.scatter.add.s32 [tilespmem:s23], [sflag:$0x1], $0x1, v0, vm0, $0x4038;
	[tilespmem:$0x408] =	vst v63  }
0x19: {  	v0 =	vld.msk [tilespmem:s24+$0x0 ss:$0x1], $0xffff;
	_ =	sdelay $0x4  }
0x1a: {  	v0 =	vmin.u32 v0, $0x80;
	_ =	sdelay $0x3  }
0x1b: {  	s25 =	simm.s32 $0x318;
	s26 =	simm.s32 $0x128  }
0x1c: {  	[spmem:s5] =	stream.indirect_vreg.scatter.add.s32 [tilespmem:s25], [sflag:$0x1], $0x1, v0, vm0, $0x4038;
	[tilespmem:$0x408] =	vst v63  }
0x1d: {  	v0 =	vld.msk [tilespmem:s26+$0x0 ss:$0x1], $0xffff;
	_ =	sdelay $0x4  }
0x1e: {  	v0 =	vmin.u32 v0, $0x80;
	_ =	sdelay $0x3  }
0x1f: {  	s28 =	simm.s32 $0x328;
	s29 =	simm.s32 $0x138  }
0x20: {  	[spmem:s5] =	stream.indirect_vreg.scatter.add.s32 [tilespmem:s28], [sflag:$0x1], $0x1, v0, vm0, $0x4038;
	[tilespmem:$0x408] =	vst v63  }
0x21: {  	v0 =	vld.msk [tilespmem:s29+$0x0 ss:$0x1], $0xffff;
	_ =	sdelay $0x4  }
0x22: {  	v0 =	vmin.u32 v0, $0x80;
	_ =	sdelay $0x3  }
0x23: {  	s30 =	simm.s32 $0x338;
	s31 =	simm.s32 $0x148  }
0x24: {  	[spmem:s5] =	stream.indirect_vreg.scatter.add.s32 [tilespmem:s30], [sflag:$0x1], $0x1, v0, vm0, $0x4038;
	[tilespmem:$0x408] =	vst v63  }
0x25: {  	v0 =	vld.msk [tilespmem:s31+$0x0 ss:$0x1], $0xffff;
	_ =	sdelay $0x4  }
0x26: {  	v0 =	vmin.u32 v0, $0x80;
	_ =	sdelay $0x3  }
0x27: {  	s7 =	simm.s32 $0x348;
	s8 =	simm.s32 $0x158  }
0x28: {  	[spmem:s5] =	stream.indirect_vreg.scatter.add.s32 [tilespmem:s7], [sflag:$0x1], $0x1, v0, vm0, $0x4038;
	[tilespmem:$0x408] =	vst v63  }
0x29: {  	v0 =	vld.msk [tilespmem:s8+$0x0 ss:$0x1], $0xffff;
	_ =	sdelay $0x4  }
0x2a: {  	v0 =	vmin.u32 v0, $0x80;
	_ =	sdelay $0x3  }
0x2b: {  	s10 =	simm.s32 $0x168;
	s9 =	simm.s32 $0x358  }
0x2c: {  	[spmem:s5] =	stream.indirect_vreg.scatter.add.s32 [tilespmem:s9], [sflag:$0x1], $0x1, v0, vm0, $0x4038;
	[tilespmem:$0x408] =	vst v63  }
0x2d: {  	v0 =	vld.msk [tilespmem:s10+$0x0 ss:$0x1], $0xffff;
	_ =	sdelay $0x4  }
0x2e: {  	v0 =	vmin.u32 v0, $0x80;
	_ =	sdelay $0x3  }
0x2f: {  	s11 =	simm.s32 $0x368;
	s12 =	simm.s32 $0x178  }
0x30: {  	[spmem:s5] =	stream.indirect_vreg.scatter.add.s32 [tilespmem:s11], [sflag:$0x1], $0x1, v0, vm0, $0x4038;
	[tilespmem:$0x408] =	vst v63  }
0x31: {  	v0 =	vld.msk [tilespmem:s12+$0x0 ss:$0x1], $0xffff;
	_ =	sdelay $0x4  }
0x32: {  	v0 =	vmin.u32 v0, $0x80;
	_ =	sdelay $0x3  }
0x33: {  	s13 =	simm.s32 $0x378;
	s14 =	simm.s32 $0x188  }
0x34: {  	[spmem:s5] =	stream.indirect_vreg.scatter.add.s32 [tilespmem:s13], [sflag:$0x1], $0x1, v0, vm0, $0x4038;
	[tilespmem:$0x408] =	vst v63  }
0x35: {  	v0 =	vld.msk [tilespmem:s14+$0x0 ss:$0x1], $0xffff;
	_ =	sdelay $0x4  }
0x36: {  	v0 =	vmin.u32 v0, $0x80;
	_ =	sdelay $0x3  }
0x37: {  	s15 =	simm.s32 $0x388;
	s16 =	simm.s32 $0x198  }
0x38: {  	[spmem:s5] =	stream.indirect_vreg.scatter.add.s32 [tilespmem:s15], [sflag:$0x1], $0x1, v0, vm0, $0x4038;
	[tilespmem:$0x408] =	vst v63  }
0x39: {  	v0 =	vld.msk [tilespmem:s16+$0x0 ss:$0x1], $0xffff;
	_ =	sdelay $0x4  }
0x3a: {  	v0 =	vmin.u32 v0, $0x80;
	_ =	sdelay $0x3  }
0x3b: {  	s17 =	simm.s32 $0x398;
	s18 =	simm.s32 $0x1A8  }
0x3c: {  	[spmem:s5] =	stream.indirect_vreg.scatter.add.s32 [tilespmem:s17], [sflag:$0x1], $0x1, v0, vm0, $0x4038;
	[tilespmem:$0x408] =	vst v63  }
0x3d: {  	v0 =	vld.msk [tilespmem:s18+$0x0 ss:$0x1], $0xffff;
	_ =	sdelay $0x4  }
0x3e: {  	v0 =	vmin.u32 v0, $0x80;
	_ =	sdelay $0x3  }
0x3f: {  	s19 =	simm.s32 $0x3A8;
	s20 =	simm.s32 $0x1B8  }
0x40: {  	[spmem:s5] =	stream.indirect_vreg.scatter.add.s32 [tilespmem:s19], [sflag:$0x1], $0x1, v0, vm0, $0x4038;
	[tilespmem:$0x408] =	vst v63  }
0x41: {  	v0 =	vld.msk [tilespmem:s20+$0x0 ss:$0x1], $0xffff;
	_ =	sdelay $0x4  }
0x42: {  	v0 =	vmin.u32 v0, $0x80;
	_ =	sdelay $0x3  }
0x43: {  	s21 =	simm.s32 $0x3B8;
	s22 =	simm.s32 $0x1C8  }
0x44: {  	[spmem:s5] =	stream.indirect_vreg.scatter.add.s32 [tilespmem:s21], [sflag:$0x1], $0x1, v0, vm0, $0x4038;
	[tilespmem:$0x408] =	vst v63  }
0x45: {  	v0 =	vld.msk [tilespmem:s22+$0x0 ss:$0x1], $0xffff;
	_ =	sdelay $0x4  }
0x46: {  	v0 =	vmin.u32 v0, $0x80;
	_ =	sdelay $0x3  }
0x47: {  	s23 =	simm.s32 $0x3C8;
	s24 =	simm.s32 $0x1D8  }
0x48: {  	[spmem:s5] =	stream.indirect_vreg.scatter.add.s32 [tilespmem:s23], [sflag:$0x1], $0x1, v0, vm0, $0x4038;
	[tilespmem:$0x408] =	vst v63  }
0x49: {  	v0 =	vld.msk [tilespmem:s24+$0x0 ss:$0x1], $0xffff;
	_ =	sdelay $0x4  }
0x4a: {  	v0 =	vmin.u32 v0, $0x80;
	_ =	sdelay $0x3  }
0x4b: {  	s25 =	simm.s32 $0x3D8;
	s26 =	simm.s32 $0x1E8  }
0x4c: {  	[spmem:s5] =	stream.indirect_vreg.scatter.add.s32 [tilespmem:s25], [sflag:$0x1], $0x1, v0, vm0, $0x4038;
	[tilespmem:$0x408] =	vst v63  }
0x4d: {  	v0 =	vld.msk [tilespmem:s26+$0x0 ss:$0x1], $0xffff;
	_ =	sdelay $0x4  }
0x4e: {  	v0 =	vmin.u32 v0, $0x80;
	_ =	sdelay $0x3  }
0x4f: {  	s28 =	simm.s32 $0x3E8;
	s29 =	simm.s32 $0x1F8  }
0x50: {  	[spmem:s5] =	stream.indirect_vreg.scatter.add.s32 [tilespmem:s28], [sflag:$0x1], $0x1, v0, vm0, $0x4038;
	[tilespmem:$0x408] =	vst v63  }
0x51: {  	v0 =	vld.msk [tilespmem:s29+$0x0 ss:$0x1], $0xffff;
	_ =	sdelay $0x4  }
0x52: {  	v0 =	vmin.u32 v0, $0x80;
	_ =	sdelay $0x3  }
0x53: {  	s30 =	simm.s32 $0x3F8  }
0x54: {  	[spmem:s5] =	stream.indirect_vreg.scatter.add.s32 [tilespmem:s30], [sflag:$0x1], $0x1, v0, vm0, $0x4038;
	[tilespmem:$0x408] =	vst v63  }
0x55: {  	_ =	swait.ge [sflag:s3], $0x100  }
0x56: {  	[sflag:s3] =	ssyncset.done $0x0  }
0x57: {  	[sflag:s3] =	ssyncadd.s32 $0xFFFFFF00  }
0x58: {  	_ =	sfence.sel $0x180000  }
0x59: {  	[bflag:$0x0] =	sbarrier.arrive $0xFFFF  }
0x5a: {  	[sflag:s4] =	ssyncpa.u1 $0x1  }
0x5b: {  	[sflag:s3] =	ssyncpa.u1 $0x1  }
0x5c: {  	_ =	sfence.stream.spmem  }
0x5d: {  	s31 =	simm.s32 $0x3D;
	[bflag:$0x0] =	sbarrier.arrive $0xFFFF  }
0x5e: {  	s3 =	simm.s32 @p0 $0x3D;
	[sflag:s31] =	ssyncpa.u1 $0x0  }
0x5f: {  	[sflag:s3] =	ssyncpa.u1 @p0 $0x1  }
0x60: {  	[bflag:$0x0] =	sbarrier.arrive @p0 $0xFFFF  }
0x61: {  	_ =	strace @p0 $0x90000047  }
0x62: {  	s3 =	simm.s32 @!p0 $0x1C3D;
	[bflag:$0x2] =	sbarrier.arrive @p0 $0xFFFF  }
0x63: {  	[hbm:s1], [sflag:s3] =	dma.local @!p0 [spmem:s2], $0x10  }
0x64: {  	s1 =	simm.s32 @!p0 $0x3D  }
0x65: {  	_ =	swait.ge @!p0 [sflag:s1], $0x10  }
0x66: {  	[sflag:s1] =	ssyncset.done @!p0 $0x0  }
0x67: {  	[sflag:s1] =	ssyncadd.s32 @!p0 $0xFFFFFFF0  }
0x68: {  	[sflag:s1] =	ssyncpa.u1 @!p0 $0x1  }
0x69: {  	[bflag:$0x0] =	sbarrier.arrive @!p0 $0xFFFF  }
0x6a: {  	_ =	strace @!p0 $0x90000047  }
0x6b: {  	s0 =	sadd.s32 @!p0 $0x100000, s0;
	[bflag:$0x2] =	sbarrier.arrive @!p0 $0xFFFF  }
0x6c: {  	[sflag:s0] =	ssyncadd.tile.s32 @!p0 $0x1;
	_ =	shalt  }
.Lfunc_end2:
_tile_overlayer_lowered:
.L_overlay_start_2:
0x6d: {  	(tag) =	ssettag $0x2  }
0x6e: {  	s0 =	rddreg [dreg:$0x0];
	s2 =	stileid.u32  }
0x6f: {  	s1 =	rddreg [dreg:$0x1];
	p0 =	sne.s32 s2, $0x0  }
0x70: {  	s3 =	rddreg [dreg:$0x2];
	[bflag:$0x3] =	sbarrier.arrive $0xFFFF;
	s2 =	simm.s32 @!p0 $0x1C01  }
0x71: {  	[timem:s3], [sflag:s2] =	dma.local @!p0 [hbm:s0], s1  }
0x72: {  	s0 =	simm.s32 @!p0 $0x1  }
0x73: {  	_ =	swait.ge @!p0 [sflag:s0], s1  }
0x74: {  	s1 =	ssub.s32 @!p0 $0x0, s1;
	[sflag:s0] =	ssyncset.done @!p0 $0x0  }
0x75: {  	[sflag:s0] =	ssyncadd.s32 @!p0 s1  }
0x76: {  	[bflag:$0x3] =	sbarrier.arrive $0xFFFF  }
0x77: {  	_ =	shalt  }

</sc_bundles>
